<compile_context>
chip_gen: v7x
topology: tpu7x:2x2x1
jax: 0.10.2.dev20260603
libtpu: 0.0.44.dev20260713+nightly
codegen_flags: <defaults>
</compile_context>

<pallas_src>
import functools

import jax
import jax.numpy as jnp
from jax import lax
from jax.experimental import pallas as pl
from jax.experimental.pallas import tpu as pltpu
from jax.experimental.pallas import tpu_sc as plsc

MAX_LEN = 150
MAX_REL = 32
SRC_TO_TGT_REL = 2 * MAX_REL + 1
TGT_TO_SRC_REL = 2 * MAX_REL + 2
NUM_RELS = 2 * MAX_REL + 3
DIM = 1024

LANES = 16
NC = 2
NS = 16
NW = NC * NS

ROWS = MAX_LEN * MAX_LEN
PER_W = -(-ROWS // NW)
PER_W = ((PER_W + 7) // 8) * 8
ROWS_PAD = PER_W * NW
CHUNK = 16
N_CHUNKS = PER_W // CHUNK
N_PAIRS = N_CHUNKS // 2

_MESH = plsc.VectorSubcoreMesh(core_axis_name="c", subcore_axis_name="s")


@functools.partial(
    pl.kernel,
    out_type=jax.ShapeDtypeStruct((ROWS_PAD, DIM), jnp.float32),
    mesh=_MESH,
    scratch_types=[
        pltpu.VMEM((NUM_RELS, DIM), jnp.float32),
        pltpu.VMEM((2 * LANES,), jnp.int32),
        pltpu.VMEM((CHUNK, DIM), jnp.float32),
        pltpu.VMEM((CHUNK, DIM), jnp.float32),
        pltpu.SemaphoreType.DMA,
        pltpu.SemaphoreType.DMA,
    ],
)
def _sc_build(
    table_hbm, params_hbm, out_hbm,
    table_v, par_v, buf0, buf1, ss0, ss1,
):
    buf = (buf0, buf1)
    ss = (ss0, ss1)
    wid = lax.axis_index("c") * NS + lax.axis_index("s")
    pltpu.sync_copy(table_hbm, table_v)
    pltpu.sync_copy(params_hbm, par_v)
    src = par_v[pl.ds(0, LANES)][0]
    tot = par_v[pl.ds(LANES, LANES)][0]
    base = wid * PER_W

    def do_chunk(c, c2, k):
        row0 = base + c * CHUNK

        @pl.when(c2 > 0)
        def _():
            pltpu.make_async_copy(buf[k], out_hbm.at[pl.ds(base, CHUNK)], ss[k]).wait()

        def row_body(r, carry):
            f = row0 + r
            i = lax.div(f, MAX_LEN)
            j = f - i * MAX_LEN
            rel = MAX_REL + lax.min(lax.max(j - i, -MAX_REL), MAX_REL)
            c1 = (i < src) & (j >= src) & (j < tot)
            c2_ = (i >= src) & (i < tot) & (j < src)
            rel = lax.select(c1, SRC_TO_TGT_REL, rel)
            rel = lax.select(c2_, TGT_TO_SRC_REL, rel)
            for g in range(DIM // LANES // 16):
                vals = []
                for v in range(16):
                    sl = pl.ds((g * 16 + v) * LANES, LANES)
                    vals.append(table_v[rel, sl])
                for v in range(16):
                    sl = pl.ds((g * 16 + v) * LANES, LANES)
                    buf[k][r, sl] = vals[v]
            return carry

        lax.fori_loop(0, CHUNK, row_body, 0)
        pltpu.async_copy(buf[k], out_hbm.at[pl.ds(row0, CHUNK)], ss[k])

    def pair_body(c2, carry):
        do_chunk(2 * c2, c2, 0)
        do_chunk(2 * c2 + 1, c2, 1)
        return carry

    lax.fori_loop(0, N_PAIRS, pair_body, 0)
    pltpu.make_async_copy(buf[0], out_hbm.at[pl.ds(base, CHUNK)], ss[0]).wait()
    pltpu.make_async_copy(buf[1], out_hbm.at[pl.ds(base, CHUNK)], ss[1]).wait()


def kernel(rel_weight, src_len, tgt_len):
    src = jnp.asarray(src_len, jnp.int32)
    tot = src + jnp.asarray(tgt_len, jnp.int32)
    params = jnp.concatenate(
        [jnp.broadcast_to(src, (LANES,)), jnp.broadcast_to(tot, (LANES,))]
    )
    out = _sc_build(rel_weight.astype(jnp.float32), params)
    return out[:ROWS].reshape(MAX_LEN, MAX_LEN, DIM)

# --- scband reference (transcript-rebuilt; emitter-appended) ---
"""Pipeline reference for scband-spatial-relations-builder-51728586113562 (READ-ONLY COPY).

The authoritative reference and input builder live on the scoring server;
editing this copy changes nothing except your own understanding.
"""

import jax, jax.numpy as jnp
import numpy as np

MAX_LEN = 150
MAX_REL = 32
NUM_RELS_TOTAL = 2 * MAX_REL + 3
SRC_TO_TGT_REL = 2 * MAX_REL + 1
TGT_TO_SRC_REL = 2 * MAX_REL + 2


def _build_relations():
    i = np.arange(MAX_LEN)[:, None]
    j = np.arange(MAX_LEN)[None, :]
    rel = MAX_REL + np.clip(j - i, -MAX_REL, MAX_REL)
    return rel.astype(np.int64)


def setup_inputs(seed: int = 0) -> dict:
    key = jax.random.key(seed)
    dim = 1024
    rel_weight = jax.random.normal(key, (NUM_RELS_TOTAL, dim), dtype=jnp.float32)
    return {"rel_weight": rel_weight, "src_len": 75, "tgt_len": 75}


def reference(rel_weight, src_len, tgt_len):
    rel = jnp.asarray(_build_relations())
    total = src_len + tgt_len
    relations = rel[:MAX_LEN, :MAX_LEN]
    i = jnp.arange(MAX_LEN)[:, None]
    j = jnp.arange(MAX_LEN)[None, :]
    relations = jnp.where(
        (i < src_len) & (j >= src_len) & (j < total), SRC_TO_TGT_REL, relations
    )
    relations = jnp.where(
        (i >= src_len) & (i < total) & (j < src_len), TGT_TO_SRC_REL, relations
    )
    return jnp.take(rel_weight, relations, axis=0)

if __name__ == "__main__":
    import jax
    _d = setup_inputs()
    print(jax.jit(kernel)(*tuple(_d.values())))

</pallas_src>

<mosaic_0001>
#map = affine_map<(d0, d1) -> (0, 0)>
#map1 = affine_map<(d0, d1) -> (0)>
module attributes {stable_mosaic.version = 14 : i64} {
  func.func @_sc_build(%arg0: i32, %arg1: i32, %arg2: memref<67x1024xf32, #tpu.memory_space<hbm>>, %arg3: memref<32xi32, #tpu.memory_space<hbm>>, %arg4: memref<22528x1024xf32, #tpu.memory_space<hbm>>, %arg5: memref<67x1024xf32, #tpu.memory_space<vmem>>, %arg6: memref<32xi32, #tpu.memory_space<vmem>>, %arg7: memref<16x1024xf32, #tpu.memory_space<vmem>>, %arg8: memref<16x1024xf32, #tpu.memory_space<vmem>>, %arg9: memref<!tpu.dma_semaphore, #tpu.memory_space<semaphore_mem>>, %arg10: memref<!tpu.dma_semaphore, #tpu.memory_space<semaphore_mem>>) attributes {dimension_semantics = [#tpu.dimension_semantics<core_parallel>, #tpu.dimension_semantics<subcore_parallel>], iteration_bounds = array<i64: 2, 16>, scalar_prefetch = 0 : i64, scratch_operands = 6 : i64, tpu.core_type = #tpu.core_type<sc_vector_subcore>, window_params = [{transform_indices = #map}, {transform_indices = #map1}, {transform_indices = #map}]} {
    %mul3A = arith.constant 16 : i32
    %mul3A_0 = arith.muli %arg0, %mul3A : i32
    %add3A = arith.addi %mul3A_0, %arg1 : i32
    "tpu.region"() ({
      %run_scoped3A = tpu.sem_alloc : memref<!tpu.dma_semaphore, #tpu.memory_space<semaphore_mem>>
      tpu.enqueue_dma source(%arg2 : memref<67x1024xf32, #tpu.memory_space<hbm>>) target(%arg5 : memref<67x1024xf32, #tpu.memory_space<vmem>>) target_semaphore(%run_scoped3A : memref<!tpu.dma_semaphore, #tpu.memory_space<semaphore_mem>>)
      tpu.wait_dma2 semaphore(%run_scoped3A : memref<!tpu.dma_semaphore, #tpu.memory_space<semaphore_mem>>) src(%arg2 : memref<67x1024xf32, #tpu.memory_space<hbm>>) dst(%arg5 : memref<67x1024xf32, #tpu.memory_space<vmem>>)
      tpu.yield
    }) : () -> ()
    "tpu.region"() ({
      %run_scoped3A = tpu.sem_alloc : memref<!tpu.dma_semaphore, #tpu.memory_space<semaphore_mem>>
      tpu.enqueue_dma source(%arg3 : memref<32xi32, #tpu.memory_space<hbm>>) target(%arg6 : memref<32xi32, #tpu.memory_space<vmem>>) target_semaphore(%run_scoped3A : memref<!tpu.dma_semaphore, #tpu.memory_space<semaphore_mem>>)
      tpu.wait_dma2 semaphore(%run_scoped3A : memref<!tpu.dma_semaphore, #tpu.memory_space<semaphore_mem>>) src(%arg3 : memref<32xi32, #tpu.memory_space<hbm>>) dst(%arg6 : memref<32xi32, #tpu.memory_space<vmem>>)
      tpu.yield
    }) : () -> ()
    %get3A = arith.constant 0 : index
    %get3A_1 = tpu.vector_load %arg6[%get3A] {strides = array<i32>} : memref<32xi32, #tpu.memory_space<vmem>>, vector<16xi32>,
    %get3A_2 = vector.shape_cast %get3A_1 : vector<16xi32> to vector<16xi32>
    %slice3A = vector.extract_strided_slice %get3A_2 {offsets = [0], sizes = [1], strides = [1]} : vector<16xi32> to vector<1xi32>
    %squeeze3A = vector.extract %slice3A[0] : i32 from vector<1xi32>
    %get3A_3 = arith.constant 16 : index
    %get3A_4 = tpu.vector_load %arg6[%get3A_3] {strides = array<i32>} : memref<32xi32, #tpu.memory_space<vmem>>, vector<16xi32>,
    %get3A_5 = vector.shape_cast %get3A_4 : vector<16xi32> to vector<16xi32>
    %slice3A_6 = vector.extract_strided_slice %get3A_5 {offsets = [0], sizes = [1], strides = [1]} : vector<16xi32> to vector<1xi32>
    %squeeze3A_7 = vector.extract %slice3A_6[0] : i32 from vector<1xi32>
    %mul3A_8 = arith.constant 704 : i32
    %mul3A_9 = arith.muli %add3A, %mul3A_8 : i32
    %scan3A = arith.constant 0 : i32
    %scan3A_10 = arith.constant 0 : i32
    %scan3A_11 = arith.constant 22 : i32
    %scan3A_12 = arith.addi %scan3A_10, %scan3A_11 : i32
    %scan3A_13 = arith.constant 1 : i32
    scf.for %scan3A_22 = %scan3A_10 to %scan3A_12 step %scan3A_13  : i32 {
      %mul3A_23 = arith.constant 2 : i32
      %mul3A_24 = arith.muli %mul3A_23, %scan3A_22 : i32
      %mul3A_25 = arith.constant 16 : i32
      %mul3A_26 = arith.muli %mul3A_24, %mul3A_25 : i32
      %add3A_27 = arith.addi %mul3A_9, %mul3A_26 : i32
      %gt3A = arith.constant 0 : i32
      %gt3A_28 = arith.cmpi sgt, %scan3A_22, %gt3A : i32
      %convert_element_type3A = arith.extui %gt3A_28 : i1 to i32
      %cond3A = arith.constant 0 : i32
      %cond3A_29 = arith.cmpi ne, %convert_element_type3A, %cond3A : i32
      scf.if %cond3A_29 {
        %dma_wait3A_61 = arith.constant 0 : i32
        %dma_wait3A_62 = tpu.memref_slice %arg4[%mul3A_9, %dma_wait3A_61] : memref<22528x1024xf32, #tpu.memory_space<hbm>> -> memref<16x1024xf32, #tpu.memory_space<hbm>>
        %dma_wait3A_63 = arith.constant 0 : i32
        %dma_wait3A_64 = tpu.memref_slice %arg4[%mul3A_9, %dma_wait3A_63] : memref<22528x1024xf32, #tpu.memory_space<hbm>> -> memref<16x1024xf32, #tpu.memory_space<hbm>>
        tpu.wait_dma2 semaphore(%arg9 : memref<!tpu.dma_semaphore, #tpu.memory_space<semaphore_mem>>) src(%arg7 : memref<16x1024xf32, #tpu.memory_space<vmem>>) dst(%dma_wait3A_64 : memref<16x1024xf32, #tpu.memory_space<hbm>>)
      } else {
      }
      %scan3A_30 = arith.constant 0 : i32
      %scan3A_31 = arith.constant 0 : i32
      %scan3A_32 = arith.constant 16 : i32
      %scan3A_33 = arith.addi %scan3A_31, %scan3A_32 : i32
      %scan3A_34 = arith.constant 1 : i32
      scf.for %scan3A_61 = %scan3A_31 to %scan3A_33 step %scan3A_34  : i32 {
        %add3A_62 = arith.addi %add3A_27, %scan3A_61 : i32
        %div3A = arith.constant 150 : i32
        %div3A_63 = arith.divsi %add3A_62, %div3A : i32
        %mul3A_64 = arith.constant 150 : i32
        %mul3A_65 = arith.muli %div3A_63, %mul3A_64 : i32
        %sub3A = arith.subi %add3A_62, %mul3A_65 : i32
        %sub3A_66 = arith.subi %sub3A, %div3A_63 : i32
        %max3A = arith.constant -32 : i32
        %max3A_67 = arith.maxsi %sub3A_66, %max3A : i32
        %min3A = arith.constant 32 : i32
        %min3A_68 = arith.minsi %max3A_67, %min3A : i32
        %add3A_69 = arith.constant 32 : i32
        %add3A_70 = arith.addi %add3A_69, %min3A_68 : i32
        %lt3A = arith.cmpi slt, %div3A_63, %squeeze3A : i32
        %ge3A = arith.cmpi sge, %sub3A, %squeeze3A : i32
        %and3A = arith.andi %lt3A, %ge3A : i1
        %lt3A_71 = arith.cmpi slt, %sub3A, %squeeze3A_7 : i32
        %and3A_72 = arith.andi %and3A, %lt3A_71 : i1
        %ge3A_73 = arith.cmpi sge, %div3A_63, %squeeze3A : i32
        %lt3A_74 = arith.cmpi slt, %div3A_63, %squeeze3A_7 : i32
        %and3A_75 = arith.andi %ge3A_73, %lt3A_74 : i1
        %lt3A_76 = arith.cmpi slt, %sub3A, %squeeze3A : i32
        %and3A_77 = arith.andi %and3A_75, %lt3A_76 : i1
        %select_n3A = arith.constant 65 : i32
        %select_n3A_78 = arith.select %and3A_72, %select_n3A, %add3A_70 : i32
        %select_n3A_79 = arith.constant 66 : i32
        %select_n3A_80 = arith.select %and3A_77, %select_n3A_79, %select_n3A_78 : i32
        %get3A_81 = arith.index_cast %select_n3A_80 : i32 to index
        %get3A_82 = arith.constant 0 : index
        %get3A_83 = tpu.vector_load %arg5[%get3A_81, %get3A_82] {strides = array<i32>} : memref<67x1024xf32, #tpu.memory_space<vmem>>, vector<1x16xf32>,
        %get3A_84 = vector.shape_cast %get3A_83 : vector<1x16xf32> to vector<16xf32>
        %get3A_85 = arith.index_cast %select_n3A_80 : i32 to index
        %get3A_86 = arith.constant 16 : index
        %get3A_87 = tpu.vector_load %arg5[%get3A_85, %get3A_86] {strides = array<i32>} : memref<67x1024xf32, #tpu.memory_space<vmem>>, vector<1x16xf32>,
        %get3A_88 = vector.shape_cast %get3A_87 : vector<1x16xf32> to vector<16xf32>
        %get3A_89 = arith.index_cast %select_n3A_80 : i32 to index
        %get3A_90 = arith.constant 32 : index
        %get3A_91 = tpu.vector_load %arg5[%get3A_89, %get3A_90] {strides = array<i32>} : memref<67x1024xf32, #tpu.memory_space<vmem>>, vector<1x16xf32>,
        %get3A_92 = vector.shape_cast %get3A_91 : vector<1x16xf32> to vector<16xf32>
        %get3A_93 = arith.index_cast %select_n3A_80 : i32 to index
        %get3A_94 = arith.constant 48 : index
        %get3A_95 = tpu.vector_load %arg5[%get3A_93, %get3A_94] {strides = array<i32>} : memref<67x1024xf32, #tpu.memory_space<vmem>>, vector<1x16xf32>,
        %get3A_96 = vector.shape_cast %get3A_95 : vector<1x16xf32> to vector<16xf32>
        %get3A_97 = arith.index_cast %select_n3A_80 : i32 to index
        %get3A_98 = arith.constant 64 : index
        %get3A_99 = tpu.vector_load %arg5[%get3A_97, %get3A_98] {strides = array<i32>} : memref<67x1024xf32, #tpu.memory_space<vmem>>, vector<1x16xf32>,
        %get3A_100 = vector.shape_cast %get3A_99 : vector<1x16xf32> to vector<16xf32>
        %get3A_101 = arith.index_cast %select_n3A_80 : i32 to index
        %get3A_102 = arith.constant 80 : index
        %get3A_103 = tpu.vector_load %arg5[%get3A_101, %get3A_102] {strides = array<i32>} : memref<67x1024xf32, #tpu.memory_space<vmem>>, vector<1x16xf32>,
        %get3A_104 = vector.shape_cast %get3A_103 : vector<1x16xf32> to vector<16xf32>
        %get3A_105 = arith.index_cast %select_n3A_80 : i32 to index
        %get3A_106 = arith.constant 96 : index
        %get3A_107 = tpu.vector_load %arg5[%get3A_105, %get3A_106] {strides = array<i32>} : memref<67x1024xf32, #tpu.memory_space<vmem>>, vector<1x16xf32>,
        %get3A_108 = vector.shape_cast %get3A_107 : vector<1x16xf32> to vector<16xf32>
        %get3A_109 = arith.index_cast %select_n3A_80 : i32 to index
        %get3A_110 = arith.constant 112 : index
        %get3A_111 = tpu.vector_load %arg5[%get3A_109, %get3A_110] {strides = array<i32>} : memref<67x1024xf32, #tpu.memory_space<vmem>>, vector<1x16xf32>,
        %get3A_112 = vector.shape_cast %get3A_111 : vector<1x16xf32> to vector<16xf32>
        %get3A_113 = arith.index_cast %select_n3A_80 : i32 to index
        %get3A_114 = arith.constant 128 : index
        %get3A_115 = tpu.vector_load %arg5[%get3A_113, %get3A_114] {strides = array<i32>} : memref<67x1024xf32, #tpu.memory_space<vmem>>, vector<1x16xf32>,
        %get3A_116 = vector.shape_cast %get3A_115 : vector<1x16xf32> to vector<16xf32>
        %get3A_117 = arith.index_cast %select_n3A_80 : i32 to index
        %get3A_118 = arith.constant 144 : index
        %get3A_119 = tpu.vector_load %arg5[%get3A_117, %get3A_118] {strides = array<i32>} : memref<67x1024xf32, #tpu.memory_space<vmem>>, vector<1x16xf32>,
        %get3A_120 = vector.shape_cast %get3A_119 : vector<1x16xf32> to vector<16xf32>
        %get3A_121 = arith.index_cast %select_n3A_80 : i32 to index
        %get3A_122 = arith.constant 160 : index
        %get3A_123 = tpu.vector_load %arg5[%get3A_121, %get3A_122] {strides = array<i32>} : memref<67x1024xf32, #tpu.memory_space<vmem>>, vector<1x16xf32>,
        %get3A_124 = vector.shape_cast %get3A_123 : vector<1x16xf32> to vector<16xf32>
        %get3A_125 = arith.index_cast %select_n3A_80 : i32 to index
        %get3A_126 = arith.constant 176 : index
        %get3A_127 = tpu.vector_load %arg5[%get3A_125, %get3A_126] {strides = array<i32>} : memref<67x1024xf32, #tpu.memory_space<vmem>>, vector<1x16xf32>,
        %get3A_128 = vector.shape_cast %get3A_127 : vector<1x16xf32> to vector<16xf32>
        %get3A_129 = arith.index_cast %select_n3A_80 : i32 to index
        %get3A_130 = arith.constant 192 : index
        %get3A_131 = tpu.vector_load %arg5[%get3A_129, %get3A_130] {strides = array<i32>} : memref<67x1024xf32, #tpu.memory_space<vmem>>, vector<1x16xf32>,
        %get3A_132 = vector.shape_cast %get3A_131 : vector<1x16xf32> to vector<16xf32>
        %get3A_133 = arith.index_cast %select_n3A_80 : i32 to index
        %get3A_134 = arith.constant 208 : index
        %get3A_135 = tpu.vector_load %arg5[%get3A_133, %get3A_134] {strides = array<i32>} : memref<67x1024xf32, #tpu.memory_space<vmem>>, vector<1x16xf32>,
        %get3A_136 = vector.shape_cast %get3A_135 : vector<1x16xf32> to vector<16xf32>
        %get3A_137 = arith.index_cast %select_n3A_80 : i32 to index
        %get3A_138 = arith.constant 224 : index
        %get3A_139 = tpu.vector_load %arg5[%get3A_137, %get3A_138] {strides = array<i32>} : memref<67x1024xf32, #tpu.memory_space<vmem>>, vector<1x16xf32>,
        %get3A_140 = vector.shape_cast %get3A_139 : vector<1x16xf32> to vector<16xf32>
        %get3A_141 = arith.index_cast %select_n3A_80 : i32 to index
        %get3A_142 = arith.constant 240 : index
        %get3A_143 = tpu.vector_load %arg5[%get3A_141, %get3A_142] {strides = array<i32>} : memref<67x1024xf32, #tpu.memory_space<vmem>>, vector<1x16xf32>,
        %get3A_144 = vector.shape_cast %get3A_143 : vector<1x16xf32> to vector<16xf32>
        %swap3A = arith.index_cast %scan3A_61 : i32 to index
        %swap3A_145 = arith.constant 0 : index
        %swap3A_146 = tpu.vector_load %arg7[%swap3A, %swap3A_145] {strides = array<i32>} : memref<16x1024xf32, #tpu.memory_space<vmem>>, vector<1x16xf32>,
        %swap3A_147 = vector.shape_cast %swap3A_146 : vector<1x16xf32> to vector<16xf32>
        %swap3A_148 = vector.shape_cast %get3A_84 : vector<16xf32> to vector<1x16xf32>
        tpu.vector_store %arg7[%swap3A, %swap3A_145], %swap3A_148 {strides = array<i32>} : memref<16x1024xf32, #tpu.memory_space<vmem>>, vector<1x16xf32>,
        %swap3A_149 = arith.index_cast %scan3A_61 : i32 to index
        %swap3A_150 = arith.constant 16 : index
        %swap3A_151 = tpu.vector_load %arg7[%swap3A_149, %swap3A_150] {strides = array<i32>} : memref<16x1024xf32, #tpu.memory_space<vmem>>, vector<1x16xf32>,
        %swap3A_152 = vector.shape_cast %swap3A_151 : vector<1x16xf32> to vector<16xf32>
        %swap3A_153 = vector.shape_cast %get3A_88 : vector<16xf32> to vector<1x16xf32>
        tpu.vector_store %arg7[%swap3A_149, %swap3A_150], %swap3A_153 {strides = array<i32>} : memref<16x1024xf32, #tpu.memory_space<vmem>>, vector<1x16xf32>,
        %swap3A_154 = arith.index_cast %scan3A_61 : i32 to index
        %swap3A_155 = arith.constant 32 : index
        %swap3A_156 = tpu.vector_load %arg7[%swap3A_154, %swap3A_155] {strides = array<i32>} : memref<16x1024xf32, #tpu.memory_space<vmem>>, vector<1x16xf32>,
        %swap3A_157 = vector.shape_cast %swap3A_156 : vector<1x16xf32> to vector<16xf32>
        %swap3A_158 = vector.shape_cast %get3A_92 : vector<16xf32> to vector<1x16xf32>
        tpu.vector_store %arg7[%swap3A_154, %swap3A_155], %swap3A_158 {strides = array<i32>} : memref<16x1024xf32, #tpu.memory_space<vmem>>, vector<1x16xf32>,
        %swap3A_159 = arith.index_cast %scan3A_61 : i32 to index
        %swap3A_160 = arith.constant 48 : index
        %swap3A_161 = tpu.vector_load %arg7[%swap3A_159, %swap3A_160] {strides = array<i32>} : memref<16x1024xf32, #tpu.memory_space<vmem>>, vector<1x16xf32>,
        %swap3A_162 = vector.shape_cast %swap3A_161 : vector<1x16xf32> to vector<16xf32>
        %swap3A_163 = vector.shape_cast %get3A_96 : vector<16xf32> to vector<1x16xf32>
        tpu.vector_store %arg7[%swap3A_159, %swap3A_160], %swap3A_163 {strides = array<i32>} : memref<16x1024xf32, #tpu.memory_space<vmem>>, vector<1x16xf32>,
        %swap3A_164 = arith.index_cast %scan3A_61 : i32 to index
        %swap3A_165 = arith.constant 64 : index
        %swap3A_166 = tpu.vector_load %arg7[%swap3A_164, %swap3A_165] {strides = array<i32>} : memref<16x1024xf32, #tpu.memory_space<vmem>>, vector<1x16xf32>,
        %swap3A_167 = vector.shape_cast %swap3A_166 : vector<1x16xf32> to vector<16xf32>
        %swap3A_168 = vector.shape_cast %get3A_100 : vector<16xf32> to vector<1x16xf32>
        tpu.vector_store %arg7[%swap3A_164, %swap3A_165], %swap3A_168 {strides = array<i32>} : memref<16x1024xf32, #tpu.memory_space<vmem>>, vector<1x16xf32>,
        %swap3A_169 = arith.index_cast %scan3A_61 : i32 to index
        %swap3A_170 = arith.constant 80 : index
        %swap3A_171 = tpu.vector_load %arg7[%swap3A_169, %swap3A_170] {strides = array<i32>} : memref<16x1024xf32, #tpu.memory_space<vmem>>, vector<1x16xf32>,
        %swap3A_172 = vector.shape_cast %swap3A_171 : vector<1x16xf32> to vector<16xf32>
        %swap3A_173 = vector.shape_cast %get3A_104 : vector<16xf32> to vector<1x16xf32>
        tpu.vector_store %arg7[%swap3A_169, %swap3A_170], %swap3A_173 {strides = array<i32>} : memref<16x1024xf32, #tpu.memory_space<vmem>>, vector<1x16xf32>,
        %swap3A_174 = arith.index_cast %scan3A_61 : i32 to index
        %swap3A_175 = arith.constant 96 : index
        %swap3A_176 = tpu.vector_load %arg7[%swap3A_174, %swap3A_175] {strides = array<i32>} : memref<16x1024xf32, #tpu.memory_space<vmem>>, vector<1x16xf32>,
        %swap3A_177 = vector.shape_cast %swap3A_176 : vector<1x16xf32> to vector<16xf32>
        %swap3A_178 = vector.shape_cast %get3A_108 : vector<16xf32> to vector<1x16xf32>
        tpu.vector_store %arg7[%swap3A_174, %swap3A_175], %swap3A_178 {strides = array<i32>} : memref<16x1024xf32, #tpu.memory_space<vmem>>, vector<1x16xf32>,
        %swap3A_179 = arith.index_cast %scan3A_61 : i32 to index
        %swap3A_180 = arith.constant 112 : index
        %swap3A_181 = tpu.vector_load %arg7[%swap3A_179, %swap3A_180] {strides = array<i32>} : memref<16x1024xf32, #tpu.memory_space<vmem>>, vector<1x16xf32>,
        %swap3A_182 = vector.shape_cast %swap3A_181 : vector<1x16xf32> to vector<16xf32>
        %swap3A_183 = vector.shape_cast %get3A_112 : vector<16xf32> to vector<1x16xf32>
        tpu.vector_store %arg7[%swap3A_179, %swap3A_180], %swap3A_183 {strides = array<i32>} : memref<16x1024xf32, #tpu.memory_space<vmem>>, vector<1x16xf32>,
        %swap3A_184 = arith.index_cast %scan3A_61 : i32 to index
        %swap3A_185 = arith.constant 128 : index
        %swap3A_186 = tpu.vector_load %arg7[%swap3A_184, %swap3A_185] {strides = array<i32>} : memref<16x1024xf32, #tpu.memory_space<vmem>>, vector<1x16xf32>,
        %swap3A_187 = vector.shape_cast %swap3A_186 : vector<1x16xf32> to vector<16xf32>
        %swap3A_188 = vector.shape_cast %get3A_116 : vector<16xf32> to vector<1x16xf32>
        tpu.vector_store %arg7[%swap3A_184, %swap3A_185], %swap3A_188 {strides = array<i32>} : memref<16x1024xf32, #tpu.memory_space<vmem>>, vector<1x16xf32>,
        %swap3A_189 = arith.index_cast %scan3A_61 : i32 to index
        %swap3A_190 = arith.constant 144 : index
        %swap3A_191 = tpu.vector_load %arg7[%swap3A_189, %swap3A_190] {strides = array<i32>} : memref<16x1024xf32, #tpu.memory_space<vmem>>, vector<1x16xf32>,
        %swap3A_192 = vector.shape_cast %swap3A_191 : vector<1x16xf32> to vector<16xf32>
        %swap3A_193 = vector.shape_cast %get3A_120 : vector<16xf32> to vector<1x16xf32>
        tpu.vector_store %arg7[%swap3A_189, %swap3A_190], %swap3A_193 {strides = array<i32>} : memref<16x1024xf32, #tpu.memory_space<vmem>>, vector<1x16xf32>,
        %swap3A_194 = arith.index_cast %scan3A_61 : i32 to index
        %swap3A_195 = arith.constant 160 : index
        %swap3A_196 = tpu.vector_load %arg7[%swap3A_194, %swap3A_195] {strides = array<i32>} : memref<16x1024xf32, #tpu.memory_space<vmem>>, vector<1x16xf32>,
        %swap3A_197 = vector.shape_cast %swap3A_196 : vector<1x16xf32> to vector<16xf32>
        %swap3A_198 = vector.shape_cast %get3A_124 : vector<16xf32> to vector<1x16xf32>
        tpu.vector_store %arg7[%swap3A_194, %swap3A_195], %swap3A_198 {strides = array<i32>} : memref<16x1024xf32, #tpu.memory_space<vmem>>, vector<1x16xf32>,
        %swap3A_199 = arith.index_cast %scan3A_61 : i32 to index
        %swap3A_200 = arith.constant 176 : index
        %swap3A_201 = tpu.vector_load %arg7[%swap3A_199, %swap3A_200] {strides = array<i32>} : memref<16x1024xf32, #tpu.memory_space<vmem>>, vector<1x16xf32>,
        %swap3A_202 = vector.shape_cast %swap3A_201 : vector<1x16xf32> to vector<16xf32>
        %swap3A_203 = vector.shape_cast %get3A_128 : vector<16xf32> to vector<1x16xf32>
        tpu.vector_store %arg7[%swap3A_199, %swap3A_200], %swap3A_203 {strides = array<i32>} : memref<16x1024xf32, #tpu.memory_space<vmem>>, vector<1x16xf32>,
        %swap3A_204 = arith.index_cast %scan3A_61 : i32 to index
        %swap3A_205 = arith.constant 192 : index
        %swap3A_206 = tpu.vector_load %arg7[%swap3A_204, %swap3A_205] {strides = array<i32>} : memref<16x1024xf32, #tpu.memory_space<vmem>>, vector<1x16xf32>,
        %swap3A_207 = vector.shape_cast %swap3A_206 : vector<1x16xf32> to vector<16xf32>
        %swap3A_208 = vector.shape_cast %get3A_132 : vector<16xf32> to vector<1x16xf32>
        tpu.vector_store %arg7[%swap3A_204, %swap3A_205], %swap3A_208 {strides = array<i32>} : memref<16x1024xf32, #tpu.memory_space<vmem>>, vector<1x16xf32>,
        %swap3A_209 = arith.index_cast %scan3A_61 : i32 to index
        %swap3A_210 = arith.constant 208 : index
        %swap3A_211 = tpu.vector_load %arg7[%swap3A_209, %swap3A_210] {strides = array<i32>} : memref<16x1024xf32, #tpu.memory_space<vmem>>, vector<1x16xf32>,
        %swap3A_212 = vector.shape_cast %swap3A_211 : vector<1x16xf32> to vector<16xf32>
        %swap3A_213 = vector.shape_cast %get3A_136 : vector<16xf32> to vector<1x16xf32>
        tpu.vector_store %arg7[%swap3A_209, %swap3A_210], %swap3A_213 {strides = array<i32>} : memref<16x1024xf32, #tpu.memory_space<vmem>>, vector<1x16xf32>,
        %swap3A_214 = arith.index_cast %scan3A_61 : i32 to index
        %swap3A_215 = arith.constant 224 : index
        %swap3A_216 = tpu.vector_load %arg7[%swap3A_214, %swap3A_215] {strides = array<i32>} : memref<16x1024xf32, #tpu.memory_space<vmem>>, vector<1x16xf32>,
        %swap3A_217 = vector.shape_cast %swap3A_216 : vector<1x16xf32> to vector<16xf32>
        %swap3A_218 = vector.shape_cast %get3A_140 : vector<16xf32> to vector<1x16xf32>
        tpu.vector_store %arg7[%swap3A_214, %swap3A_215], %swap3A_218 {strides = array<i32>} : memref<16x1024xf32, #tpu.memory_space<vmem>>, vector<1x16xf32>,
        %swap3A_219 = arith.index_cast %scan3A_61 : i32 to index
        %swap3A_220 = arith.constant 240 : index
        %swap3A_221 = tpu.vector_load %arg7[%swap3A_219, %swap3A_220] {strides = array<i32>} : memref<16x1024xf32, #tpu.memory_space<vmem>>, vector<1x16xf32>,
        %swap3A_222 = vector.shape_cast %swap3A_221 : vector<1x16xf32> to vector<16xf32>
        %swap3A_223 = vector.shape_cast %get3A_144 : vector<16xf32> to vector<1x16xf32>
        tpu.vector_store %arg7[%swap3A_219, %swap3A_220], %swap3A_223 {strides = array<i32>} : memref<16x1024xf32, #tpu.memory_space<vmem>>, vector<1x16xf32>,
        %get3A_224 = arith.index_cast %select_n3A_80 : i32 to index
        %get3A_225 = arith.constant 256 : index
        %get3A_226 = tpu.vector_load %arg5[%get3A_224, %get3A_225] {strides = array<i32>} : memref<67x1024xf32, #tpu.memory_space<vmem>>, vector<1x16xf32>,
        %get3A_227 = vector.shape_cast %get3A_226 : vector<1x16xf32> to vector<16xf32>
        %get3A_228 = arith.index_cast %select_n3A_80 : i32 to index
        %get3A_229 = arith.constant 272 : index
        %get3A_230 = tpu.vector_load %arg5[%get3A_228, %get3A_229] {strides = array<i32>} : memref<67x1024xf32, #tpu.memory_space<vmem>>, vector<1x16xf32>,
        %get3A_231 = vector.shape_cast %get3A_230 : vector<1x16xf32> to vector<16xf32>
        %get3A_232 = arith.index_cast %select_n3A_80 : i32 to index
        %get3A_233 = arith.constant 288 : index
        %get3A_234 = tpu.vector_load %arg5[%get3A_232, %get3A_233] {strides = array<i32>} : memref<67x1024xf32, #tpu.memory_space<vmem>>, vector<1x16xf32>,
        %get3A_235 = vector.shape_cast %get3A_234 : vector<1x16xf32> to vector<16xf32>
        %get3A_236 = arith.index_cast %select_n3A_80 : i32 to index
        %get3A_237 = arith.constant 304 : index
        %get3A_238 = tpu.vector_load %arg5[%get3A_236, %get3A_237] {strides = array<i32>} : memref<67x1024xf32, #tpu.memory_space<vmem>>, vector<1x16xf32>,
        %get3A_239 = vector.shape_cast %get3A_238 : vector<1x16xf32> to vector<16xf32>
        %get3A_240 = arith.index_cast %select_n3A_80 : i32 to index
        %get3A_241 = arith.constant 320 : index
        %get3A_242 = tpu.vector_load %arg5[%get3A_240, %get3A_241] {strides = array<i32>} : memref<67x1024xf32, #tpu.memory_space<vmem>>, vector<1x16xf32>,
        %get3A_243 = vector.shape_cast %get3A_242 : vector<1x16xf32> to vector<16xf32>
        %get3A_244 = arith.index_cast %select_n3A_80 : i32 to index
        %get3A_245 = arith.constant 336 : index
        %get3A_246 = tpu.vector_load %arg5[%get3A_244, %get3A_245] {strides = array<i32>} : memref<67x1024xf32, #tpu.memory_space<vmem>>, vector<1x16xf32>,
        %get3A_247 = vector.shape_cast %get3A_246 : vector<1x16xf32> to vector<16xf32>
        %get3A_248 = arith.index_cast %select_n3A_80 : i32 to index
        %get3A_249 = arith.constant 352 : index
        %get3A_250 = tpu.vector_load %arg5[%get3A_248, %get3A_249] {strides = array<i32>} : memref<67x1024xf32, #tpu.memory_space<vmem>>, vector<1x16xf32>,
        %get3A_251 = vector.shape_cast %get3A_250 : vector<1x16xf32> to vector<16xf32>
        %get3A_252 = arith.index_cast %select_n3A_80 : i32 to index
        %get3A_253 = arith.constant 368 : index
        %get3A_254 = tpu.vector_load %arg5[%get3A_252, %get3A_253] {strides = array<i32>} : memref<67x1024xf32, #tpu.memory_space<vmem>>, vector<1x16xf32>,
        %get3A_255 = vector.shape_cast %get3A_254 : vector<1x16xf32> to vector<16xf32>
        %get3A_256 = arith.index_cast %select_n3A_80 : i32 to index
        %get3A_257 = arith.constant 384 : index
        %get3A_258 = tpu.vector_load %arg5[%get3A_256, %get3A_257] {strides = array<i32>} : memref<67x1024xf32, #tpu.memory_space<vmem>>, vector<1x16xf32>,
        %get3A_259 = vector.shape_cast %get3A_258 : vector<1x16xf32> to vector<16xf32>
        %get3A_260 = arith.index_cast %select_n3A_80 : i32 to index
        %get3A_261 = arith.constant 400 : index
        %get3A_262 = tpu.vector_load %arg5[%get3A_260, %get3A_261] {strides = array<i32>} : memref<67x1024xf32, #tpu.memory_space<vmem>>, vector<1x16xf32>,
        %get3A_263 = vector.shape_cast %get3A_262 : vector<1x16xf32> to vector<16xf32>
        %get3A_264 = arith.index_cast %select_n3A_80 : i32 to index
        %get3A_265 = arith.constant 416 : index
        %get3A_266 = tpu.vector_load %arg5[%get3A_264, %get3A_265] {strides = array<i32>} : memref<67x1024xf32, #tpu.memory_space<vmem>>, vector<1x16xf32>,
        %get3A_267 = vector.shape_cast %get3A_266 : vector<1x16xf32> to vector<16xf32>
        %get3A_268 = arith.index_cast %select_n3A_80 : i32 to index
        %get3A_269 = arith.constant 432 : index
        %get3A_270 = tpu.vector_load %arg5[%get3A_268, %get3A_269] {strides = array<i32>} : memref<67x1024xf32, #tpu.memory_space<vmem>>, vector<1x16xf32>,
        %get3A_271 = vector.shape_cast %get3A_270 : vector<1x16xf32> to vector<16xf32>
        %get3A_272 = arith.index_cast %select_n3A_80 : i32 to index
        %get3A_273 = arith.constant 448 : index
        %get3A_274 = tpu.vector_load %arg5[%get3A_272, %get3A_273] {strides = array<i32>} : memref<67x1024xf32, #tpu.memory_space<vmem>>, vector<1x16xf32>,
        %get3A_275 = vector.shape_cast %get3A_274 : vector<1x16xf32> to vector<16xf32>
        %get3A_276 = arith.index_cast %select_n3A_80 : i32 to index
        %get3A_277 = arith.constant 464 : index
        %get3A_278 = tpu.vector_load %arg5[%get3A_276, %get3A_277] {strides = array<i32>} : memref<67x1024xf32, #tpu.memory_space<vmem>>, vector<1x16xf32>,
        %get3A_279 = vector.shape_cast %get3A_278 : vector<1x16xf32> to vector<16xf32>
        %get3A_280 = arith.index_cast %select_n3A_80 : i32 to index
        %get3A_281 = arith.constant 480 : index
        %get3A_282 = tpu.vector_load %arg5[%get3A_280, %get3A_281] {strides = array<i32>} : memref<67x1024xf32, #tpu.memory_space<vmem>>, vector<1x16xf32>,
        %get3A_283 = vector.shape_cast %get3A_282 : vector<1x16xf32> to vector<16xf32>
        %get3A_284 = arith.index_cast %select_n3A_80 : i32 to index
        %get3A_285 = arith.constant 496 : index
        %get3A_286 = tpu.vector_load %arg5[%get3A_284, %get3A_285] {strides = array<i32>} : memref<67x1024xf32, #tpu.memory_space<vmem>>, vector<1x16xf32>,
        %get3A_287 = vector.shape_cast %get3A_286 : vector<1x16xf32> to vector<16xf32>
        %swap3A_288 = arith.index_cast %scan3A_61 : i32 to index
        %swap3A_289 = arith.constant 256 : index
        %swap3A_290 = tpu.vector_load %arg7[%swap3A_288, %swap3A_289] {strides = array<i32>} : memref<16x1024xf32, #tpu.memory_space<vmem>>, vector<1x16xf32>,
        %swap3A_291 = vector.shape_cast %swap3A_290 : vector<1x16xf32> to vector<16xf32>
        %swap3A_292 = vector.shape_cast %get3A_227 : vector<16xf32> to vector<1x16xf32>
        tpu.vector_store %arg7[%swap3A_288, %swap3A_289], %swap3A_292 {strides = array<i32>} : memref<16x1024xf32, #tpu.memory_space<vmem>>, vector<1x16xf32>,
        %swap3A_293 = arith.index_cast %scan3A_61 : i32 to index
        %swap3A_294 = arith.constant 272 : index
        %swap3A_295 = tpu.vector_load %arg7[%swap3A_293, %swap3A_294] {strides = array<i32>} : memref<16x1024xf32, #tpu.memory_space<vmem>>, vector<1x16xf32>,
        %swap3A_296 = vector.shape_cast %swap3A_295 : vector<1x16xf32> to vector<16xf32>
        %swap3A_297 = vector.shape_cast %get3A_231 : vector<16xf32> to vector<1x16xf32>
        tpu.vector_store %arg7[%swap3A_293, %swap3A_294], %swap3A_297 {strides = array<i32>} : memref<16x1024xf32, #tpu.memory_space<vmem>>, vector<1x16xf32>,
        %swap3A_298 = arith.index_cast %scan3A_61 : i32 to index
        %swap3A_299 = arith.constant 288 : index
        %swap3A_300 = tpu.vector_load %arg7[%swap3A_298, %swap3A_299] {strides = array<i32>} : memref<16x1024xf32, #tpu.memory_space<vmem>>, vector<1x16xf32>,
        %swap3A_301 = vector.shape_cast %swap3A_300 : vector<1x16xf32> to vector<16xf32>
        %swap3A_302 = vector.shape_cast %get3A_235 : vector<16xf32> to vector<1x16xf32>
        tpu.vector_store %arg7[%swap3A_298, %swap3A_299], %swap3A_302 {strides = array<i32>} : memref<16x1024xf32, #tpu.memory_space<vmem>>, vector<1x16xf32>,
        %swap3A_303 = arith.index_cast %scan3A_61 : i32 to index
        %swap3A_304 = arith.constant 304 : index
        %swap3A_305 = tpu.vector_load %arg7[%swap3A_303, %swap3A_304] {strides = array<i32>} : memref<16x1024xf32, #tpu.memory_space<vmem>>, vector<1x16xf32>,
        %swap3A_306 = vector.shape_cast %swap3A_305 : vector<1x16xf32> to vector<16xf32>
        %swap3A_307 = vector.shape_cast %get3A_239 : vector<16xf32> to vector<1x16xf32>
        tpu.vector_store %arg7[%swap3A_303, %swap3A_304], %swap3A_307 {strides = array<i32>} : memref<16x1024xf32, #tpu.memory_space<vmem>>, vector<1x16xf32>,
        %swap3A_308 = arith.index_cast %scan3A_61 : i32 to index
        %swap3A_309 = arith.constant 320 : index
        %swap3A_310 = tpu.vector_load %arg7[%swap3A_308, %swap3A_309] {strides = array<i32>} : memref<16x1024xf32, #tpu.memory_space<vmem>>, vector<1x16xf32>,
        %swap3A_311 = vector.shape_cast %swap3A_310 : vector<1x16xf32> to vector<16xf32>
        %swap3A_312 = vector.shape_cast %get3A_243 : vector<16xf32> to vector<1x16xf32>
        tpu.vector_store %arg7[%swap3A_308, %swap3A_309], %swap3A_312 {strides = array<i32>} : memref<16x1024xf32, #tpu.memory_space<vmem>>, vector<1x16xf32>,
        %swap3A_313 = arith.index_cast %scan3A_61 : i32 to index
        %swap3A_314 = arith.constant 336 : index
        %swap3A_315 = tpu.vector_load %arg7[%swap3A_313, %swap3A_314] {strides = array<i32>} : memref<16x1024xf32, #tpu.memory_space<vmem>>, vector<1x16xf32>,
        %swap3A_316 = vector.shape_cast %swap3A_315 : vector<1x16xf32> to vector<16xf32>
        %swap3A_317 = vector.shape_cast %get3A_247 : vector<16xf32> to vector<1x16xf32>
        tpu.vector_store %arg7[%swap3A_313, %swap3A_314], %swap3A_317 {strides = array<i32>} : memref<16x1024xf32, #tpu.memory_space<vmem>>, vector<1x16xf32>,
        %swap3A_318 = arith.index_cast %scan3A_61 : i32 to index
        %swap3A_319 = arith.constant 352 : index
        %swap3A_320 = tpu.vector_load %arg7[%swap3A_318, %swap3A_319] {strides = array<i32>} : memref<16x1024xf32, #tpu.memory_space<vmem>>, vector<1x16xf32>,
        %swap3A_321 = vector.shape_cast %swap3A_320 : vector<1x16xf32> to vector<16xf32>
        %swap3A_322 = vector.shape_cast %get3A_251 : vector<16xf32> to vector<1x16xf32>
        tpu.vector_store %arg7[%swap3A_318, %swap3A_319], %swap3A_322 {strides = array<i32>} : memref<16x1024xf32, #tpu.memory_space<vmem>>, vector<1x16xf32>,
        %swap3A_323 = arith.index_cast %scan3A_61 : i32 to index
        %swap3A_324 = arith.constant 368 : index
        %swap3A_325 = tpu.vector_load %arg7[%swap3A_323, %swap3A_324] {strides = array<i32>} : memref<16x1024xf32, #tpu.memory_space<vmem>>, vector<1x16xf32>,
        %swap3A_326 = vector.shape_cast %swap3A_325 : vector<1x16xf32> to vector<16xf32>
        %swap3A_327 = vector.shape_cast %get3A_255 : vector<16xf32> to vector<1x16xf32>
        tpu.vector_store %arg7[%swap3A_323, %swap3A_324], %swap3A_327 {strides = array<i32>} : memref<16x1024xf32, #tpu.memory_space<vmem>>, vector<1x16xf32>,
        %swap3A_328 = arith.index_cast %scan3A_61 : i32 to index
        %swap3A_329 = arith.constant 384 : index
        %swap3A_330 = tpu.vector_load %arg7[%swap3A_328, %swap3A_329] {strides = array<i32>} : memref<16x1024xf32, #tpu.memory_space<vmem>>, vector<1x16xf32>,
        %swap3A_331 = vector.shape_cast %swap3A_330 : vector<1x16xf32> to vector<16xf32>
        %swap3A_332 = vector.shape_cast %get3A_259 : vector<16xf32> to vector<1x16xf32>
        tpu.vector_store %arg7[%swap3A_328, %swap3A_329], %swap3A_332 {strides = array<i32>} : memref<16x1024xf32, #tpu.memory_space<vmem>>, vector<1x16xf32>,
        %swap3A_333 = arith.index_cast %scan3A_61 : i32 to index
        %swap3A_334 = arith.constant 400 : index
        %swap3A_335 = tpu.vector_load %arg7[%swap3A_333, %swap3A_334] {strides = array<i32>} : memref<16x1024xf32, #tpu.memory_space<vmem>>, vector<1x16xf32>,
        %swap3A_336 = vector.shape_cast %swap3A_335 : vector<1x16xf32> to vector<16xf32>
        %swap3A_337 = vector.shape_cast %get3A_263 : vector<16xf32> to vector<1x16xf32>
        tpu.vector_store %arg7[%swap3A_333, %swap3A_334], %swap3A_337 {strides = array<i32>} : memref<16x1024xf32, #tpu.memory_space<vmem>>, vector<1x16xf32>,
        %swap3A_338 = arith.index_cast %scan3A_61 : i32 to index
        %swap3A_339 = arith.constant 416 : index
        %swap3A_340 = tpu.vector_load %arg7[%swap3A_338, %swap3A_339] {strides = array<i32>} : memref<16x1024xf32, #tpu.memory_space<vmem>>, vector<1x16xf32>,
        %swap3A_341 = vector.shape_cast %swap3A_340 : vector<1x16xf32> to vector<16xf32>
        %swap3A_342 = vector.shape_cast %get3A_267 : vector<16xf32> to vector<1x16xf32>
        tpu.vector_store %arg7[%swap3A_338, %swap3A_339], %swap3A_342 {strides = array<i32>} : memref<16x1024xf32, #tpu.memory_space<vmem>>, vector<1x16xf32>,
        %swap3A_343 = arith.index_cast %scan3A_61 : i32 to index
        %swap3A_344 = arith.constant 432 : index
        %swap3A_345 = tpu.vector_load %arg7[%swap3A_343, %swap3A_344] {strides = array<i32>} : memref<16x1024xf32, #tpu.memory_space<vmem>>, vector<1x16xf32>,
        %swap3A_346 = vector.shape_cast %swap3A_345 : vector<1x16xf32> to vector<16xf32>
        %swap3A_347 = vector.shape_cast %get3A_271 : vector<16xf32> to vector<1x16xf32>
        tpu.vector_store %arg7[%swap3A_343, %swap3A_344], %swap3A_347 {strides = array<i32>} : memref<16x1024xf32, #tpu.memory_space<vmem>>, vector<1x16xf32>,
        %swap3A_348 = arith.index_cast %scan3A_61 : i32 to index
        %swap3A_349 = arith.constant 448 : index
        %swap3A_350 = tpu.vector_load %arg7[%swap3A_348, %swap3A_349] {strides = array<i32>} : memref<16x1024xf32, #tpu.memory_space<vmem>>, vector<1x16xf32>,
        %swap3A_351 = vector.shape_cast %swap3A_350 : vector<1x16xf32> to vector<16xf32>
        %swap3A_352 = vector.shape_cast %get3A_275 : vector<16xf32> to vector<1x16xf32>
        tpu.vector_store %arg7[%swap3A_348, %swap3A_349], %swap3A_352 {strides = array<i32>} : memref<16x1024xf32, #tpu.memory_space<vmem>>, vector<1x16xf32>,
        %swap3A_353 = arith.index_cast %scan3A_61 : i32 to index
        %swap3A_354 = arith.constant 464 : index
        %swap3A_355 = tpu.vector_load %arg7[%swap3A_353, %swap3A_354] {strides = array<i32>} : memref<16x1024xf32, #tpu.memory_space<vmem>>, vector<1x16xf32>,
        %swap3A_356 = vector.shape_cast %swap3A_355 : vector<1x16xf32> to vector<16xf32>
        %swap3A_357 = vector.shape_cast %get3A_279 : vector<16xf32> to vector<1x16xf32>
        tpu.vector_store %arg7[%swap3A_353, %swap3A_354], %swap3A_357 {strides = array<i32>} : memref<16x1024xf32, #tpu.memory_space<vmem>>, vector<1x16xf32>,
        %swap3A_358 = arith.index_cast %scan3A_61 : i32 to index
        %swap3A_359 = arith.constant 480 : index
        %swap3A_360 = tpu.vector_load %arg7[%swap3A_358, %swap3A_359] {strides = array<i32>} : memref<16x1024xf32, #tpu.memory_space<vmem>>, vector<1x16xf32>,
        %swap3A_361 = vector.shape_cast %swap3A_360 : vector<1x16xf32> to vector<16xf32>
        %swap3A_362 = vector.shape_cast %get3A_283 : vector<16xf32> to vector<1x16xf32>
        tpu.vector_store %arg7[%swap3A_358, %swap3A_359], %swap3A_362 {strides = array<i32>} : memref<16x1024xf32, #tpu.memory_space<vmem>>, vector<1x16xf32>,
        %swap3A_363 = arith.index_cast %scan3A_61 : i32 to index
        %swap3A_364 = arith.constant 496 : index
        %swap3A_365 = tpu.vector_load %arg7[%swap3A_363, %swap3A_364] {strides = array<i32>} : memref<16x1024xf32, #tpu.memory_space<vmem>>, vector<1x16xf32>,
        %swap3A_366 = vector.shape_cast %swap3A_365 : vector<1x16xf32> to vector<16xf32>
        %swap3A_367 = vector.shape_cast %get3A_287 : vector<16xf32> to vector<1x16xf32>
        tpu.vector_store %arg7[%swap3A_363, %swap3A_364], %swap3A_367 {strides = array<i32>} : memref<16x1024xf32, #tpu.memory_space<vmem>>, vector<1x16xf32>,
        %get3A_368 = arith.index_cast %select_n3A_80 : i32 to index
        %get3A_369 = arith.constant 512 : index
        %get3A_370 = tpu.vector_load %arg5[%get3A_368, %get3A_369] {strides = array<i32>} : memref<67x1024xf32, #tpu.memory_space<vmem>>, vector<1x16xf32>,
        %get3A_371 = vector.shape_cast %get3A_370 : vector<1x16xf32> to vector<16xf32>
        %get3A_372 = arith.index_cast %select_n3A_80 : i32 to index
        %get3A_373 = arith.constant 528 : index
        %get3A_374 = tpu.vector_load %arg5[%get3A_372, %get3A_373] {strides = array<i32>} : memref<67x1024xf32, #tpu.memory_space<vmem>>, vector<1x16xf32>,
        %get3A_375 = vector.shape_cast %get3A_374 : vector<1x16xf32> to vector<16xf32>
        %get3A_376 = arith.index_cast %select_n3A_80 : i32 to index
        %get3A_377 = arith.constant 544 : index
        %get3A_378 = tpu.vector_load %arg5[%get3A_376, %get3A_377] {strides = array<i32>} : memref<67x1024xf32, #tpu.memory_space<vmem>>, vector<1x16xf32>,
        %get3A_379 = vector.shape_cast %get3A_378 : vector<1x16xf32> to vector<16xf32>
        %get3A_380 = arith.index_cast %select_n3A_80 : i32 to index
        %get3A_381 = arith.constant 560 : index
        %get3A_382 = tpu.vector_load %arg5[%get3A_380, %get3A_381] {strides = array<i32>} : memref<67x1024xf32, #tpu.memory_space<vmem>>, vector<1x16xf32>,
        %get3A_383 = vector.shape_cast %get3A_382 : vector<1x16xf32> to vector<16xf32>
        %get3A_384 = arith.index_cast %select_n3A_80 : i32 to index
        %get3A_385 = arith.constant 576 : index
        %get3A_386 = tpu.vector_load %arg5[%get3A_384, %get3A_385] {strides = array<i32>} : memref<67x1024xf32, #tpu.memory_space<vmem>>, vector<1x16xf32>,
        %get3A_387 = vector.shape_cast %get3A_386 : vector<1x16xf32> to vector<16xf32>
        %get3A_388 = arith.index_cast %select_n3A_80 : i32 to index
        %get3A_389 = arith.constant 592 : index
        %get3A_390 = tpu.vector_load %arg5[%get3A_388, %get3A_389] {strides = array<i32>} : memref<67x1024xf32, #tpu.memory_space<vmem>>, vector<1x16xf32>,
        %get3A_391 = vector.shape_cast %get3A_390 : vector<1x16xf32> to vector<16xf32>
        %get3A_392 = arith.index_cast %select_n3A_80 : i32 to index
        %get3A_393 = arith.constant 608 : index
        %get3A_394 = tpu.vector_load %arg5[%get3A_392, %get3A_393] {strides = array<i32>} : memref<67x1024xf32, #tpu.memory_space<vmem>>, vector<1x16xf32>,
        %get3A_395 = vector.shape_cast %get3A_394 : vector<1x16xf32> to vector<16xf32>
        %get3A_396 = arith.index_cast %select_n3A_80 : i32 to index
        %get3A_397 = arith.constant 624 : index
        %get3A_398 = tpu.vector_load %arg5[%get3A_396, %get3A_397] {strides = array<i32>} : memref<67x1024xf32, #tpu.memory_space<vmem>>, vector<1x16xf32>,
        %get3A_399 = vector.shape_cast %get3A_398 : vector<1x16xf32> to vector<16xf32>
        %get3A_400 = arith.index_cast %select_n3A_80 : i32 to index
        %get3A_401 = arith.constant 640 : index
        %get3A_402 = tpu.vector_load %arg5[%get3A_400, %get3A_401] {strides = array<i32>} : memref<67x1024xf32, #tpu.memory_space<vmem>>, vector<1x16xf32>,
        %get3A_403 = vector.shape_cast %get3A_402 : vector<1x16xf32> to vector<16xf32>
        %get3A_404 = arith.index_cast %select_n3A_80 : i32 to index
        %get3A_405 = arith.constant 656 : index
        %get3A_406 = tpu.vector_load %arg5[%get3A_404, %get3A_405] {strides = array<i32>} : memref<67x1024xf32, #tpu.memory_space<vmem>>, vector<1x16xf32>,
        %get3A_407 = vector.shape_cast %get3A_406 : vector<1x16xf32> to vector<16xf32>
        %get3A_408 = arith.index_cast %select_n3A_80 : i32 to index
        %get3A_409 = arith.constant 672 : index
        %get3A_410 = tpu.vector_load %arg5[%get3A_408, %get3A_409] {strides = array<i32>} : memref<67x1024xf32, #tpu.memory_space<vmem>>, vector<1x16xf32>,
        %get3A_411 = vector.shape_cast %get3A_410 : vector<1x16xf32> to vector<16xf32>
        %get3A_412 = arith.index_cast %select_n3A_80 : i32 to index
        %get3A_413 = arith.constant 688 : index
        %get3A_414 = tpu.vector_load %arg5[%get3A_412, %get3A_413] {strides = array<i32>} : memref<67x1024xf32, #tpu.memory_space<vmem>>, vector<1x16xf32>,
        %get3A_415 = vector.shape_cast %get3A_414 : vector<1x16xf32> to vector<16xf32>
        %get3A_416 = arith.index_cast %select_n3A_80 : i32 to index
        %get3A_417 = arith.constant 704 : index
        %get3A_418 = tpu.vector_load %arg5[%get3A_416, %get3A_417] {strides = array<i32>} : memref<67x1024xf32, #tpu.memory_space<vmem>>, vector<1x16xf32>,
        %get3A_419 = vector.shape_cast %get3A_418 : vector<1x16xf32> to vector<16xf32>
        %get3A_420 = arith.index_cast %select_n3A_80 : i32 to index
        %get3A_421 = arith.constant 720 : index
        %get3A_422 = tpu.vector_load %arg5[%get3A_420, %get3A_421] {strides = array<i32>} : memref<67x1024xf32, #tpu.memory_space<vmem>>, vector<1x16xf32>,
        %get3A_423 = vector.shape_cast %get3A_422 : vector<1x16xf32> to vector<16xf32>
        %get3A_424 = arith.index_cast %select_n3A_80 : i32 to index
        %get3A_425 = arith.constant 736 : index
        %get3A_426 = tpu.vector_load %arg5[%get3A_424, %get3A_425] {strides = array<i32>} : memref<67x1024xf32, #tpu.memory_space<vmem>>, vector<1x16xf32>,
        %get3A_427 = vector.shape_cast %get3A_426 : vector<1x16xf32> to vector<16xf32>
        %get3A_428 = arith.index_cast %select_n3A_80 : i32 to index
        %get3A_429 = arith.constant 752 : index
        %get3A_430 = tpu.vector_load %arg5[%get3A_428, %get3A_429] {strides = array<i32>} : memref<67x1024xf32, #tpu.memory_space<vmem>>, vector<1x16xf32>,
        %get3A_431 = vector.shape_cast %get3A_430 : vector<1x16xf32> to vector<16xf32>
        %swap3A_432 = arith.index_cast %scan3A_61 : i32 to index
        %swap3A_433 = arith.constant 512 : index
        %swap3A_434 = tpu.vector_load %arg7[%swap3A_432, %swap3A_433] {strides = array<i32>} : memref<16x1024xf32, #tpu.memory_space<vmem>>, vector<1x16xf32>,
        %swap3A_435 = vector.shape_cast %swap3A_434 : vector<1x16xf32> to vector<16xf32>
        %swap3A_436 = vector.shape_cast %get3A_371 : vector<16xf32> to vector<1x16xf32>
        tpu.vector_store %arg7[%swap3A_432, %swap3A_433], %swap3A_436 {strides = array<i32>} : memref<16x1024xf32, #tpu.memory_space<vmem>>, vector<1x16xf32>,
        %swap3A_437 = arith.index_cast %scan3A_61 : i32 to index
        %swap3A_438 = arith.constant 528 : index
        %swap3A_439 = tpu.vector_load %arg7[%swap3A_437, %swap3A_438] {strides = array<i32>} : memref<16x1024xf32, #tpu.memory_space<vmem>>, vector<1x16xf32>,
        %swap3A_440 = vector.shape_cast %swap3A_439 : vector<1x16xf32> to vector<16xf32>
        %swap3A_441 = vector.shape_cast %get3A_375 : vector<16xf32> to vector<1x16xf32>
        tpu.vector_store %arg7[%swap3A_437, %swap3A_438], %swap3A_441 {strides = array<i32>} : memref<16x1024xf32, #tpu.memory_space<vmem>>, vector<1x16xf32>,
        %swap3A_442 = arith.index_cast %scan3A_61 : i32 to index
        %swap3A_443 = arith.constant 544 : index
        %swap3A_444 = tpu.vector_load %arg7[%swap3A_442, %swap3A_443] {strides = array<i32>} : memref<16x1024xf32, #tpu.memory_space<vmem>>, vector<1x16xf32>,
        %swap3A_445 = vector.shape_cast %swap3A_444 : vector<1x16xf32> to vector<16xf32>
        %swap3A_446 = vector.shape_cast %get3A_379 : vector<16xf32> to vector<1x16xf32>
        tpu.vector_store %arg7[%swap3A_442, %swap3A_443], %swap3A_446 {strides = array<i32>} : memref<16x1024xf32, #tpu.memory_space<vmem>>, vector<1x16xf32>,
        %swap3A_447 = arith.index_cast %scan3A_61 : i32 to index
        %swap3A_448 = arith.constant 560 : index
        %swap3A_449 = tpu.vector_load %arg7[%swap3A_447, %swap3A_448] {strides = array<i32>} : memref<16x1024xf32, #tpu.memory_space<vmem>>, vector<1x16xf32>,
        %swap3A_450 = vector.shape_cast %swap3A_449 : vector<1x16xf32> to vector<16xf32>
        %swap3A_451 = vector.shape_cast %get3A_383 : vector<16xf32> to vector<1x16xf32>
        tpu.vector_store %arg7[%swap3A_447, %swap3A_448], %swap3A_451 {strides = array<i32>} : memref<16x1024xf32, #tpu.memory_space<vmem>>, vector<1x16xf32>,
        %swap3A_452 = arith.index_cast %scan3A_61 : i32 to index
        %swap3A_453 = arith.constant 576 : index
        %swap3A_454 = tpu.vector_load %arg7[%swap3A_452, %swap3A_453] {strides = array<i32>} : memref<16x1024xf32, #tpu.memory_space<vmem>>, vector<1x16xf32>,
        %swap3A_455 = vector.shape_cast %swap3A_454 : vector<1x16xf32> to vector<16xf32>
        %swap3A_456 = vector.shape_cast %get3A_387 : vector<16xf32> to vector<1x16xf32>
        tpu.vector_store %arg7[%swap3A_452, %swap3A_453], %swap3A_456 {strides = array<i32>} : memref<16x1024xf32, #tpu.memory_space<vmem>>, vector<1x16xf32>,
        %swap3A_457 = arith.index_cast %scan3A_61 : i32 to index
        %swap3A_458 = arith.constant 592 : index
        %swap3A_459 = tpu.vector_load %arg7[%swap3A_457, %swap3A_458] {strides = array<i32>} : memref<16x1024xf32, #tpu.memory_space<vmem>>, vector<1x16xf32>,
        %swap3A_460 = vector.shape_cast %swap3A_459 : vector<1x16xf32> to vector<16xf32>
        %swap3A_461 = vector.shape_cast %get3A_391 : vector<16xf32> to vector<1x16xf32>
        tpu.vector_store %arg7[%swap3A_457, %swap3A_458], %swap3A_461 {strides = array<i32>} : memref<16x1024xf32, #tpu.memory_space<vmem>>, vector<1x16xf32>,
        %swap3A_462 = arith.index_cast %scan3A_61 : i32 to index
        %swap3A_463 = arith.constant 608 : index
        %swap3A_464 = tpu.vector_load %arg7[%swap3A_462, %swap3A_463] {strides = array<i32>} : memref<16x1024xf32, #tpu.memory_space<vmem>>, vector<1x16xf32>,
        %swap3A_465 = vector.shape_cast %swap3A_464 : vector<1x16xf32> to vector<16xf32>
        %swap3A_466 = vector.shape_cast %get3A_395 : vector<16xf32> to vector<1x16xf32>
        tpu.vector_store %arg7[%swap3A_462, %swap3A_463], %swap3A_466 {strides = array<i32>} : memref<16x1024xf32, #tpu.memory_space<vmem>>, vector<1x16xf32>,
        %swap3A_467 = arith.index_cast %scan3A_61 : i32 to index
        %swap3A_468 = arith.constant 624 : index
        %swap3A_469 = tpu.vector_load %arg7[%swap3A_467, %swap3A_468] {strides = array<i32>} : memref<16x1024xf32, #tpu.memory_space<vmem>>, vector<1x16xf32>,
        %swap3A_470 = vector.shape_cast %swap3A_469 : vector<1x16xf32> to vector<16xf32>
        %swap3A_471 = vector.shape_cast %get3A_399 : vector<16xf32> to vector<1x16xf32>
        tpu.vector_store %arg7[%swap3A_467, %swap3A_468], %swap3A_471 {strides = array<i32>} : memref<16x1024xf32, #tpu.memory_space<vmem>>, vector<1x16xf32>,
        %swap3A_472 = arith.index_cast %scan3A_61 : i32 to index
        %swap3A_473 = arith.constant 640 : index
        %swap3A_474 = tpu.vector_load %arg7[%swap3A_472, %swap3A_473] {strides = array<i32>} : memref<16x1024xf32, #tpu.memory_space<vmem>>, vector<1x16xf32>,
        %swap3A_475 = vector.shape_cast %swap3A_474 : vector<1x16xf32> to vector<16xf32>
        %swap3A_476 = vector.shape_cast %get3A_403 : vector<16xf32> to vector<1x16xf32>
        tpu.vector_store %arg7[%swap3A_472, %swap3A_473], %swap3A_476 {strides = array<i32>} : memref<16x1024xf32, #tpu.memory_space<vmem>>, vector<1x16xf32>,
        %swap3A_477 = arith.index_cast %scan3A_61 : i32 to index
        %swap3A_478 = arith.constant 656 : index
        %swap3A_479 = tpu.vector_load %arg7[%swap3A_477, %swap3A_478] {strides = array<i32>} : memref<16x1024xf32, #tpu.memory_space<vmem>>, vector<1x16xf32>,
        %swap3A_480 = vector.shape_cast %swap3A_479 : vector<1x16xf32> to vector<16xf32>
        %swap3A_481 = vector.shape_cast %get3A_407 : vector<16xf32> to vector<1x16xf32>
        tpu.vector_store %arg7[%swap3A_477, %swap3A_478], %swap3A_481 {strides = array<i32>} : memref<16x1024xf32, #tpu.memory_space<vmem>>, vector<1x16xf32>,
        %swap3A_482 = arith.index_cast %scan3A_61 : i32 to index
        %swap3A_483 = arith.constant 672 : index
        %swap3A_484 = tpu.vector_load %arg7[%swap3A_482, %swap3A_483] {strides = array<i32>} : memref<16x1024xf32, #tpu.memory_space<vmem>>, vector<1x16xf32>,
        %swap3A_485 = vector.shape_cast %swap3A_484 : vector<1x16xf32> to vector<16xf32>
        %swap3A_486 = vector.shape_cast %get3A_411 : vector<16xf32> to vector<1x16xf32>
        tpu.vector_store %arg7[%swap3A_482, %swap3A_483], %swap3A_486 {strides = array<i32>} : memref<16x1024xf32, #tpu.memory_space<vmem>>, vector<1x16xf32>,
        %swap3A_487 = arith.index_cast %scan3A_61 : i32 to index
        %swap3A_488 = arith.constant 688 : index
        %swap3A_489 = tpu.vector_load %arg7[%swap3A_487, %swap3A_488] {strides = array<i32>} : memref<16x1024xf32, #tpu.memory_space<vmem>>, vector<1x16xf32>,
        %swap3A_490 = vector.shape_cast %swap3A_489 : vector<1x16xf32> to vector<16xf32>
        %swap3A_491 = vector.shape_cast %get3A_415 : vector<16xf32> to vector<1x16xf32>
        tpu.vector_store %arg7[%swap3A_487, %swap3A_488], %swap3A_491 {strides = array<i32>} : memref<16x1024xf32, #tpu.memory_space<vmem>>, vector<1x16xf32>,
        %swap3A_492 = arith.index_cast %scan3A_61 : i32 to index
        %swap3A_493 = arith.constant 704 : index
        %swap3A_494 = tpu.vector_load %arg7[%swap3A_492, %swap3A_493] {strides = array<i32>} : memref<16x1024xf32, #tpu.memory_space<vmem>>, vector<1x16xf32>,
        %swap3A_495 = vector.shape_cast %swap3A_494 : vector<1x16xf32> to vector<16xf32>
        %swap3A_496 = vector.shape_cast %get3A_419 : vector<16xf32> to vector<1x16xf32>
        tpu.vector_store %arg7[%swap3A_492, %swap3A_493], %swap3A_496 {strides = array<i32>} : memref<16x1024xf32, #tpu.memory_space<vmem>>, vector<1x16xf32>,
        %swap3A_497 = arith.index_cast %scan3A_61 : i32 to index
        %swap3A_498 = arith.constant 720 : index
        %swap3A_499 = tpu.vector_load %arg7[%swap3A_497, %swap3A_498] {strides = array<i32>} : memref<16x1024xf32, #tpu.memory_space<vmem>>, vector<1x16xf32>,
        %swap3A_500 = vector.shape_cast %swap3A_499 : vector<1x16xf32> to vector<16xf32>
        %swap3A_501 = vector.shape_cast %get3A_423 : vector<16xf32> to vector<1x16xf32>
        tpu.vector_store %arg7[%swap3A_497, %swap3A_498], %swap3A_501 {strides = array<i32>} : memref<16x1024xf32, #tpu.memory_space<vmem>>, vector<1x16xf32>,
        %swap3A_502 = arith.index_cast %scan3A_61 : i32 to index
        %swap3A_503 = arith.constant 736 : index
        %swap3A_504 = tpu.vector_load %arg7[%swap3A_502, %swap3A_503] {strides = array<i32>} : memref<16x1024xf32, #tpu.memory_space<vmem>>, vector<1x16xf32>,
        %swap3A_505 = vector.shape_cast %swap3A_504 : vector<1x16xf32> to vector<16xf32>
        %swap3A_506 = vector.shape_cast %get3A_427 : vector<16xf32> to vector<1x16xf32>
        tpu.vector_store %arg7[%swap3A_502, %swap3A_503], %swap3A_506 {strides = array<i32>} : memref<16x1024xf32, #tpu.memory_space<vmem>>, vector<1x16xf32>,
        %swap3A_507 = arith.index_cast %scan3A_61 : i32 to index
        %swap3A_508 = arith.constant 752 : index
        %swap3A_509 = tpu.vector_load %arg7[%swap3A_507, %swap3A_508] {strides = array<i32>} : memref<16x1024xf32, #tpu.memory_space<vmem>>, vector<1x16xf32>,
        %swap3A_510 = vector.shape_cast %swap3A_509 : vector<1x16xf32> to vector<16xf32>
        %swap3A_511 = vector.shape_cast %get3A_431 : vector<16xf32> to vector<1x16xf32>
        tpu.vector_store %arg7[%swap3A_507, %swap3A_508], %swap3A_511 {strides = array<i32>} : memref<16x1024xf32, #tpu.memory_space<vmem>>, vector<1x16xf32>,
        %get3A_512 = arith.index_cast %select_n3A_80 : i32 to index
        %get3A_513 = arith.constant 768 : index
        %get3A_514 = tpu.vector_load %arg5[%get3A_512, %get3A_513] {strides = array<i32>} : memref<67x1024xf32, #tpu.memory_space<vmem>>, vector<1x16xf32>,
        %get3A_515 = vector.shape_cast %get3A_514 : vector<1x16xf32> to vector<16xf32>
        %get3A_516 = arith.index_cast %select_n3A_80 : i32 to index
        %get3A_517 = arith.constant 784 : index
        %get3A_518 = tpu.vector_load %arg5[%get3A_516, %get3A_517] {strides = array<i32>} : memref<67x1024xf32, #tpu.memory_space<vmem>>, vector<1x16xf32>,
        %get3A_519 = vector.shape_cast %get3A_518 : vector<1x16xf32> to vector<16xf32>
        %get3A_520 = arith.index_cast %select_n3A_80 : i32 to index
        %get3A_521 = arith.constant 800 : index
        %get3A_522 = tpu.vector_load %arg5[%get3A_520, %get3A_521] {strides = array<i32>} : memref<67x1024xf32, #tpu.memory_space<vmem>>, vector<1x16xf32>,
        %get3A_523 = vector.shape_cast %get3A_522 : vector<1x16xf32> to vector<16xf32>
        %get3A_524 = arith.index_cast %select_n3A_80 : i32 to index
        %get3A_525 = arith.constant 816 : index
        %get3A_526 = tpu.vector_load %arg5[%get3A_524, %get3A_525] {strides = array<i32>} : memref<67x1024xf32, #tpu.memory_space<vmem>>, vector<1x16xf32>,
        %get3A_527 = vector.shape_cast %get3A_526 : vector<1x16xf32> to vector<16xf32>
        %get3A_528 = arith.index_cast %select_n3A_80 : i32 to index
        %get3A_529 = arith.constant 832 : index
        %get3A_530 = tpu.vector_load %arg5[%get3A_528, %get3A_529] {strides = array<i32>} : memref<67x1024xf32, #tpu.memory_space<vmem>>, vector<1x16xf32>,
        %get3A_531 = vector.shape_cast %get3A_530 : vector<1x16xf32> to vector<16xf32>
        %get3A_532 = arith.index_cast %select_n3A_80 : i32 to index
        %get3A_533 = arith.constant 848 : index
        %get3A_534 = tpu.vector_load %arg5[%get3A_532, %get3A_533] {strides = array<i32>} : memref<67x1024xf32, #tpu.memory_space<vmem>>, vector<1x16xf32>,
        %get3A_535 = vector.shape_cast %get3A_534 : vector<1x16xf32> to vector<16xf32>
        %get3A_536 = arith.index_cast %select_n3A_80 : i32 to index
        %get3A_537 = arith.constant 864 : index
        %get3A_538 = tpu.vector_load %arg5[%get3A_536, %get3A_537] {strides = array<i32>} : memref<67x1024xf32, #tpu.memory_space<vmem>>, vector<1x16xf32>,
        %get3A_539 = vector.shape_cast %get3A_538 : vector<1x16xf32> to vector<16xf32>
        %get3A_540 = arith.index_cast %select_n3A_80 : i32 to index
        %get3A_541 = arith.constant 880 : index
        %get3A_542 = tpu.vector_load %arg5[%get3A_540, %get3A_541] {strides = array<i32>} : memref<67x1024xf32, #tpu.memory_space<vmem>>, vector<1x16xf32>,
        %get3A_543 = vector.shape_cast %get3A_542 : vector<1x16xf32> to vector<16xf32>
        %get3A_544 = arith.index_cast %select_n3A_80 : i32 to index
        %get3A_545 = arith.constant 896 : index
        %get3A_546 = tpu.vector_load %arg5[%get3A_544, %get3A_545] {strides = array<i32>} : memref<67x1024xf32, #tpu.memory_space<vmem>>, vector<1x16xf32>,
        %get3A_547 = vector.shape_cast %get3A_546 : vector<1x16xf32> to vector<16xf32>
        %get3A_548 = arith.index_cast %select_n3A_80 : i32 to index
        %get3A_549 = arith.constant 912 : index
        %get3A_550 = tpu.vector_load %arg5[%get3A_548, %get3A_549] {strides = array<i32>} : memref<67x1024xf32, #tpu.memory_space<vmem>>, vector<1x16xf32>,
        %get3A_551 = vector.shape_cast %get3A_550 : vector<1x16xf32> to vector<16xf32>
        %get3A_552 = arith.index_cast %select_n3A_80 : i32 to index
        %get3A_553 = arith.constant 928 : index
        %get3A_554 = tpu.vector_load %arg5[%get3A_552, %get3A_553] {strides = array<i32>} : memref<67x1024xf32, #tpu.memory_space<vmem>>, vector<1x16xf32>,
        %get3A_555 = vector.shape_cast %get3A_554 : vector<1x16xf32> to vector<16xf32>
        %get3A_556 = arith.index_cast %select_n3A_80 : i32 to index
        %get3A_557 = arith.constant 944 : index
        %get3A_558 = tpu.vector_load %arg5[%get3A_556, %get3A_557] {strides = array<i32>} : memref<67x1024xf32, #tpu.memory_space<vmem>>, vector<1x16xf32>,
        %get3A_559 = vector.shape_cast %get3A_558 : vector<1x16xf32> to vector<16xf32>
        %get3A_560 = arith.index_cast %select_n3A_80 : i32 to index
        %get3A_561 = arith.constant 960 : index
        %get3A_562 = tpu.vector_load %arg5[%get3A_560, %get3A_561] {strides = array<i32>} : memref<67x1024xf32, #tpu.memory_space<vmem>>, vector<1x16xf32>,
        %get3A_563 = vector.shape_cast %get3A_562 : vector<1x16xf32> to vector<16xf32>
        %get3A_564 = arith.index_cast %select_n3A_80 : i32 to index
        %get3A_565 = arith.constant 976 : index
        %get3A_566 = tpu.vector_load %arg5[%get3A_564, %get3A_565] {strides = array<i32>} : memref<67x1024xf32, #tpu.memory_space<vmem>>, vector<1x16xf32>,
        %get3A_567 = vector.shape_cast %get3A_566 : vector<1x16xf32> to vector<16xf32>
        %get3A_568 = arith.index_cast %select_n3A_80 : i32 to index
        %get3A_569 = arith.constant 992 : index
        %get3A_570 = tpu.vector_load %arg5[%get3A_568, %get3A_569] {strides = array<i32>} : memref<67x1024xf32, #tpu.memory_space<vmem>>, vector<1x16xf32>,
        %get3A_571 = vector.shape_cast %get3A_570 : vector<1x16xf32> to vector<16xf32>
        %get3A_572 = arith.index_cast %select_n3A_80 : i32 to index
        %get3A_573 = arith.constant 1008 : index
        %get3A_574 = tpu.vector_load %arg5[%get3A_572, %get3A_573] {strides = array<i32>} : memref<67x1024xf32, #tpu.memory_space<vmem>>, vector<1x16xf32>,
        %get3A_575 = vector.shape_cast %get3A_574 : vector<1x16xf32> to vector<16xf32>
        %swap3A_576 = arith.index_cast %scan3A_61 : i32 to index
        %swap3A_577 = arith.constant 768 : index
        %swap3A_578 = tpu.vector_load %arg7[%swap3A_576, %swap3A_577] {strides = array<i32>} : memref<16x1024xf32, #tpu.memory_space<vmem>>, vector<1x16xf32>,
        %swap3A_579 = vector.shape_cast %swap3A_578 : vector<1x16xf32> to vector<16xf32>
        %swap3A_580 = vector.shape_cast %get3A_515 : vector<16xf32> to vector<1x16xf32>
        tpu.vector_store %arg7[%swap3A_576, %swap3A_577], %swap3A_580 {strides = array<i32>} : memref<16x1024xf32, #tpu.memory_space<vmem>>, vector<1x16xf32>,
        %swap3A_581 = arith.index_cast %scan3A_61 : i32 to index
        %swap3A_582 = arith.constant 784 : index
        %swap3A_583 = tpu.vector_load %arg7[%swap3A_581, %swap3A_582] {strides = array<i32>} : memref<16x1024xf32, #tpu.memory_space<vmem>>, vector<1x16xf32>,
        %swap3A_584 = vector.shape_cast %swap3A_583 : vector<1x16xf32> to vector<16xf32>
        %swap3A_585 = vector.shape_cast %get3A_519 : vector<16xf32> to vector<1x16xf32>
        tpu.vector_store %arg7[%swap3A_581, %swap3A_582], %swap3A_585 {strides = array<i32>} : memref<16x1024xf32, #tpu.memory_space<vmem>>, vector<1x16xf32>,
        %swap3A_586 = arith.index_cast %scan3A_61 : i32 to index
        %swap3A_587 = arith.constant 800 : index
        %swap3A_588 = tpu.vector_load %arg7[%swap3A_586, %swap3A_587] {strides = array<i32>} : memref<16x1024xf32, #tpu.memory_space<vmem>>, vector<1x16xf32>,
        %swap3A_589 = vector.shape_cast %swap3A_588 : vector<1x16xf32> to vector<16xf32>
        %swap3A_590 = vector.shape_cast %get3A_523 : vector<16xf32> to vector<1x16xf32>
        tpu.vector_store %arg7[%swap3A_586, %swap3A_587], %swap3A_590 {strides = array<i32>} : memref<16x1024xf32, #tpu.memory_space<vmem>>, vector<1x16xf32>,
        %swap3A_591 = arith.index_cast %scan3A_61 : i32 to index
        %swap3A_592 = arith.constant 816 : index
        %swap3A_593 = tpu.vector_load %arg7[%swap3A_591, %swap3A_592] {strides = array<i32>} : memref<16x1024xf32, #tpu.memory_space<vmem>>, vector<1x16xf32>,
        %swap3A_594 = vector.shape_cast %swap3A_593 : vector<1x16xf32> to vector<16xf32>
        %swap3A_595 = vector.shape_cast %get3A_527 : vector<16xf32> to vector<1x16xf32>
        tpu.vector_store %arg7[%swap3A_591, %swap3A_592], %swap3A_595 {strides = array<i32>} : memref<16x1024xf32, #tpu.memory_space<vmem>>, vector<1x16xf32>,
        %swap3A_596 = arith.index_cast %scan3A_61 : i32 to index
        %swap3A_597 = arith.constant 832 : index
        %swap3A_598 = tpu.vector_load %arg7[%swap3A_596, %swap3A_597] {strides = array<i32>} : memref<16x1024xf32, #tpu.memory_space<vmem>>, vector<1x16xf32>,
        %swap3A_599 = vector.shape_cast %swap3A_598 : vector<1x16xf32> to vector<16xf32>
        %swap3A_600 = vector.shape_cast %get3A_531 : vector<16xf32> to vector<1x16xf32>
        tpu.vector_store %arg7[%swap3A_596, %swap3A_597], %swap3A_600 {strides = array<i32>} : memref<16x1024xf32, #tpu.memory_space<vmem>>, vector<1x16xf32>,
        %swap3A_601 = arith.index_cast %scan3A_61 : i32 to index
        %swap3A_602 = arith.constant 848 : index
        %swap3A_603 = tpu.vector_load %arg7[%swap3A_601, %swap3A_602] {strides = array<i32>} : memref<16x1024xf32, #tpu.memory_space<vmem>>, vector<1x16xf32>,
        %swap3A_604 = vector.shape_cast %swap3A_603 : vector<1x16xf32> to vector<16xf32>
        %swap3A_605 = vector.shape_cast %get3A_535 : vector<16xf32> to vector<1x16xf32>
        tpu.vector_store %arg7[%swap3A_601, %swap3A_602], %swap3A_605 {strides = array<i32>} : memref<16x1024xf32, #tpu.memory_space<vmem>>, vector<1x16xf32>,
        %swap3A_606 = arith.index_cast %scan3A_61 : i32 to index
        %swap3A_607 = arith.constant 864 : index
        %swap3A_608 = tpu.vector_load %arg7[%swap3A_606, %swap3A_607] {strides = array<i32>} : memref<16x1024xf32, #tpu.memory_space<vmem>>, vector<1x16xf32>,
        %swap3A_609 = vector.shape_cast %swap3A_608 : vector<1x16xf32> to vector<16xf32>
        %swap3A_610 = vector.shape_cast %get3A_539 : vector<16xf32> to vector<1x16xf32>
        tpu.vector_store %arg7[%swap3A_606, %swap3A_607], %swap3A_610 {strides = array<i32>} : memref<16x1024xf32, #tpu.memory_space<vmem>>, vector<1x16xf32>,
        %swap3A_611 = arith.index_cast %scan3A_61 : i32 to index
        %swap3A_612 = arith.constant 880 : index
        %swap3A_613 = tpu.vector_load %arg7[%swap3A_611, %swap3A_612] {strides = array<i32>} : memref<16x1024xf32, #tpu.memory_space<vmem>>, vector<1x16xf32>,
        %swap3A_614 = vector.shape_cast %swap3A_613 : vector<1x16xf32> to vector<16xf32>
        %swap3A_615 = vector.shape_cast %get3A_543 : vector<16xf32> to vector<1x16xf32>
        tpu.vector_store %arg7[%swap3A_611, %swap3A_612], %swap3A_615 {strides = array<i32>} : memref<16x1024xf32, #tpu.memory_space<vmem>>, vector<1x16xf32>,
        %swap3A_616 = arith.index_cast %scan3A_61 : i32 to index
        %swap3A_617 = arith.constant 896 : index
        %swap3A_618 = tpu.vector_load %arg7[%swap3A_616, %swap3A_617] {strides = array<i32>} : memref<16x1024xf32, #tpu.memory_space<vmem>>, vector<1x16xf32>,
        %swap3A_619 = vector.shape_cast %swap3A_618 : vector<1x16xf32> to vector<16xf32>
        %swap3A_620 = vector.shape_cast %get3A_547 : vector<16xf32> to vector<1x16xf32>
        tpu.vector_store %arg7[%swap3A_616, %swap3A_617], %swap3A_620 {strides = array<i32>} : memref<16x1024xf32, #tpu.memory_space<vmem>>, vector<1x16xf32>,
        %swap3A_621 = arith.index_cast %scan3A_61 : i32 to index
        %swap3A_622 = arith.constant 912 : index
        %swap3A_623 = tpu.vector_load %arg7[%swap3A_621, %swap3A_622] {strides = array<i32>} : memref<16x1024xf32, #tpu.memory_space<vmem>>, vector<1x16xf32>,
        %swap3A_624 = vector.shape_cast %swap3A_623 : vector<1x16xf32> to vector<16xf32>
        %swap3A_625 = vector.shape_cast %get3A_551 : vector<16xf32> to vector<1x16xf32>
        tpu.vector_store %arg7[%swap3A_621, %swap3A_622], %swap3A_625 {strides = array<i32>} : memref<16x1024xf32, #tpu.memory_space<vmem>>, vector<1x16xf32>,
        %swap3A_626 = arith.index_cast %scan3A_61 : i32 to index
        %swap3A_627 = arith.constant 928 : index
        %swap3A_628 = tpu.vector_load %arg7[%swap3A_626, %swap3A_627] {strides = array<i32>} : memref<16x1024xf32, #tpu.memory_space<vmem>>, vector<1x16xf32>,
        %swap3A_629 = vector.shape_cast %swap3A_628 : vector<1x16xf32> to vector<16xf32>
        %swap3A_630 = vector.shape_cast %get3A_555 : vector<16xf32> to vector<1x16xf32>
        tpu.vector_store %arg7[%swap3A_626, %swap3A_627], %swap3A_630 {strides = array<i32>} : memref<16x1024xf32, #tpu.memory_space<vmem>>, vector<1x16xf32>,
        %swap3A_631 = arith.index_cast %scan3A_61 : i32 to index
        %swap3A_632 = arith.constant 944 : index
        %swap3A_633 = tpu.vector_load %arg7[%swap3A_631, %swap3A_632] {strides = array<i32>} : memref<16x1024xf32, #tpu.memory_space<vmem>>, vector<1x16xf32>,
        %swap3A_634 = vector.shape_cast %swap3A_633 : vector<1x16xf32> to vector<16xf32>
        %swap3A_635 = vector.shape_cast %get3A_559 : vector<16xf32> to vector<1x16xf32>
        tpu.vector_store %arg7[%swap3A_631, %swap3A_632], %swap3A_635 {strides = array<i32>} : memref<16x1024xf32, #tpu.memory_space<vmem>>, vector<1x16xf32>,
        %swap3A_636 = arith.index_cast %scan3A_61 : i32 to index
        %swap3A_637 = arith.constant 960 : index
        %swap3A_638 = tpu.vector_load %arg7[%swap3A_636, %swap3A_637] {strides = array<i32>} : memref<16x1024xf32, #tpu.memory_space<vmem>>, vector<1x16xf32>,
        %swap3A_639 = vector.shape_cast %swap3A_638 : vector<1x16xf32> to vector<16xf32>
        %swap3A_640 = vector.shape_cast %get3A_563 : vector<16xf32> to vector<1x16xf32>
        tpu.vector_store %arg7[%swap3A_636, %swap3A_637], %swap3A_640 {strides = array<i32>} : memref<16x1024xf32, #tpu.memory_space<vmem>>, vector<1x16xf32>,
        %swap3A_641 = arith.index_cast %scan3A_61 : i32 to index
        %swap3A_642 = arith.constant 976 : index
        %swap3A_643 = tpu.vector_load %arg7[%swap3A_641, %swap3A_642] {strides = array<i32>} : memref<16x1024xf32, #tpu.memory_space<vmem>>, vector<1x16xf32>,
        %swap3A_644 = vector.shape_cast %swap3A_643 : vector<1x16xf32> to vector<16xf32>
        %swap3A_645 = vector.shape_cast %get3A_567 : vector<16xf32> to vector<1x16xf32>
        tpu.vector_store %arg7[%swap3A_641, %swap3A_642], %swap3A_645 {strides = array<i32>} : memref<16x1024xf32, #tpu.memory_space<vmem>>, vector<1x16xf32>,
        %swap3A_646 = arith.index_cast %scan3A_61 : i32 to index
        %swap3A_647 = arith.constant 992 : index
        %swap3A_648 = tpu.vector_load %arg7[%swap3A_646, %swap3A_647] {strides = array<i32>} : memref<16x1024xf32, #tpu.memory_space<vmem>>, vector<1x16xf32>,
        %swap3A_649 = vector.shape_cast %swap3A_648 : vector<1x16xf32> to vector<16xf32>
        %swap3A_650 = vector.shape_cast %get3A_571 : vector<16xf32> to vector<1x16xf32>
        tpu.vector_store %arg7[%swap3A_646, %swap3A_647], %swap3A_650 {strides = array<i32>} : memref<16x1024xf32, #tpu.memory_space<vmem>>, vector<1x16xf32>,
        %swap3A_651 = arith.index_cast %scan3A_61 : i32 to index
        %swap3A_652 = arith.constant 1008 : index
        %swap3A_653 = tpu.vector_load %arg7[%swap3A_651, %swap3A_652] {strides = array<i32>} : memref<16x1024xf32, #tpu.memory_space<vmem>>, vector<1x16xf32>,
        %swap3A_654 = vector.shape_cast %swap3A_653 : vector<1x16xf32> to vector<16xf32>
        %swap3A_655 = vector.shape_cast %get3A_575 : vector<16xf32> to vector<1x16xf32>
        tpu.vector_store %arg7[%swap3A_651, %swap3A_652], %swap3A_655 {strides = array<i32>} : memref<16x1024xf32, #tpu.memory_space<vmem>>, vector<1x16xf32>,
      }
      %scan3A_35 = arith.constant 16 : i32
      %dma_start3A = arith.constant 0 : i32
      %dma_start3A_36 = tpu.memref_slice %arg4[%add3A_27, %dma_start3A] : memref<22528x1024xf32, #tpu.memory_space<hbm>> -> memref<16x1024xf32, #tpu.memory_space<hbm>>
      %dma_start3A_37 = arith.constant 0 : i32
      %dma_start3A_38 = tpu.memref_slice %arg4[%add3A_27, %dma_start3A_37] : memref<22528x1024xf32, #tpu.memory_space<hbm>> -> memref<16x1024xf32, #tpu.memory_space<hbm>>
      tpu.enqueue_dma source(%arg7 : memref<16x1024xf32, #tpu.memory_space<vmem>>) target(%dma_start3A_38 : memref<16x1024xf32, #tpu.memory_space<hbm>>) target_semaphore(%arg9 : memref<!tpu.dma_semaphore, #tpu.memory_space<semaphore_mem>>)
      %mul3A_39 = arith.constant 2 : i32
      %mul3A_40 = arith.muli %mul3A_39, %scan3A_22 : i32
      %add3A_41 = arith.constant 1 : i32
      %add3A_42 = arith.addi %mul3A_40, %add3A_41 : i32
      %mul3A_43 = arith.constant 16 : i32
      %mul3A_44 = arith.muli %add3A_42, %mul3A_43 : i32
      %add3A_45 = arith.addi %mul3A_9, %mul3A_44 : i32
      %gt3A_46 = arith.constant 0 : i32
      %gt3A_47 = arith.cmpi sgt, %scan3A_22, %gt3A_46 : i32
      %convert_element_type3A_48 = arith.extui %gt3A_47 : i1 to i32
      %cond3A_49 = arith.constant 0 : i32
      %cond3A_50 = arith.cmpi ne, %convert_element_type3A_48, %cond3A_49 : i32
      scf.if %cond3A_50 {
        %dma_wait3A_61 = arith.constant 0 : i32
        %dma_wait3A_62 = tpu.memref_slice %arg4[%mul3A_9, %dma_wait3A_61] : memref<22528x1024xf32, #tpu.memory_space<hbm>> -> memref<16x1024xf32, #tpu.memory_space<hbm>>
        %dma_wait3A_63 = arith.constant 0 : i32
        %dma_wait3A_64 = tpu.memref_slice %arg4[%mul3A_9, %dma_wait3A_63] : memref<22528x1024xf32, #tpu.memory_space<hbm>> -> memref<16x1024xf32, #tpu.memory_space<hbm>>
        tpu.wait_dma2 semaphore(%arg10 : memref<!tpu.dma_semaphore, #tpu.memory_space<semaphore_mem>>) src(%arg8 : memref<16x1024xf32, #tpu.memory_space<vmem>>) dst(%dma_wait3A_64 : memref<16x1024xf32, #tpu.memory_space<hbm>>)
      } else {
      }
      %scan3A_51 = arith.constant 0 : i32
      %scan3A_52 = arith.constant 0 : i32
      %scan3A_53 = arith.constant 16 : i32
      %scan3A_54 = arith.addi %scan3A_52, %scan3A_53 : i32
      %scan3A_55 = arith.constant 1 : i32
      scf.for %scan3A_61 = %scan3A_52 to %scan3A_54 step %scan3A_55  : i32 {
        %add3A_62 = arith.addi %add3A_45, %scan3A_61 : i32
        %div3A = arith.constant 150 : i32
        %div3A_63 = arith.divsi %add3A_62, %div3A : i32
        %mul3A_64 = arith.constant 150 : i32
        %mul3A_65 = arith.muli %div3A_63, %mul3A_64 : i32
        %sub3A = arith.subi %add3A_62, %mul3A_65 : i32
        %sub3A_66 = arith.subi %sub3A, %div3A_63 : i32
        %max3A = arith.constant -32 : i32
        %max3A_67 = arith.maxsi %sub3A_66, %max3A : i32
        %min3A = arith.constant 32 : i32
        %min3A_68 = arith.minsi %max3A_67, %min3A : i32
        %add3A_69 = arith.constant 32 : i32
        %add3A_70 = arith.addi %add3A_69, %min3A_68 : i32
        %lt3A = arith.cmpi slt, %div3A_63, %squeeze3A : i32
        %ge3A = arith.cmpi sge, %sub3A, %squeeze3A : i32
        %and3A = arith.andi %lt3A, %ge3A : i1
        %lt3A_71 = arith.cmpi slt, %sub3A, %squeeze3A_7 : i32
        %and3A_72 = arith.andi %and3A, %lt3A_71 : i1
        %ge3A_73 = arith.cmpi sge, %div3A_63, %squeeze3A : i32
        %lt3A_74 = arith.cmpi slt, %div3A_63, %squeeze3A_7 : i32
        %and3A_75 = arith.andi %ge3A_73, %lt3A_74 : i1
        %lt3A_76 = arith.cmpi slt, %sub3A, %squeeze3A : i32
        %and3A_77 = arith.andi %and3A_75, %lt3A_76 : i1
        %select_n3A = arith.constant 65 : i32
        %select_n3A_78 = arith.select %and3A_72, %select_n3A, %add3A_70 : i32
        %select_n3A_79 = arith.constant 66 : i32
        %select_n3A_80 = arith.select %and3A_77, %select_n3A_79, %select_n3A_78 : i32
        %get3A_81 = arith.index_cast %select_n3A_80 : i32 to index
        %get3A_82 = arith.constant 0 : index
        %get3A_83 = tpu.vector_load %arg5[%get3A_81, %get3A_82] {strides = array<i32>} : memref<67x1024xf32, #tpu.memory_space<vmem>>, vector<1x16xf32>,
        %get3A_84 = vector.shape_cast %get3A_83 : vector<1x16xf32> to vector<16xf32>
        %get3A_85 = arith.index_cast %select_n3A_80 : i32 to index
        %get3A_86 = arith.constant 16 : index
        %get3A_87 = tpu.vector_load %arg5[%get3A_85, %get3A_86] {strides = array<i32>} : memref<67x1024xf32, #tpu.memory_space<vmem>>, vector<1x16xf32>,
        %get3A_88 = vector.shape_cast %get3A_87 : vector<1x16xf32> to vector<16xf32>
        %get3A_89 = arith.index_cast %select_n3A_80 : i32 to index
        %get3A_90 = arith.constant 32 : index
        %get3A_91 = tpu.vector_load %arg5[%get3A_89, %get3A_90] {strides = array<i32>} : memref<67x1024xf32, #tpu.memory_space<vmem>>, vector<1x16xf32>,
        %get3A_92 = vector.shape_cast %get3A_91 : vector<1x16xf32> to vector<16xf32>
        %get3A_93 = arith.index_cast %select_n3A_80 : i32 to index
        %get3A_94 = arith.constant 48 : index
        %get3A_95 = tpu.vector_load %arg5[%get3A_93, %get3A_94] {strides = array<i32>} : memref<67x1024xf32, #tpu.memory_space<vmem>>, vector<1x16xf32>,
        %get3A_96 = vector.shape_cast %get3A_95 : vector<1x16xf32> to vector<16xf32>
        %get3A_97 = arith.index_cast %select_n3A_80 : i32 to index
        %get3A_98 = arith.constant 64 : index
        %get3A_99 = tpu.vector_load %arg5[%get3A_97, %get3A_98] {strides = array<i32>} : memref<67x1024xf32, #tpu.memory_space<vmem>>, vector<1x16xf32>,
        %get3A_100 = vector.shape_cast %get3A_99 : vector<1x16xf32> to vector<16xf32>
        %get3A_101 = arith.index_cast %select_n3A_80 : i32 to index
        %get3A_102 = arith.constant 80 : index
        %get3A_103 = tpu.vector_load %arg5[%get3A_101, %get3A_102] {strides = array<i32>} : memref<67x1024xf32, #tpu.memory_space<vmem>>, vector<1x16xf32>,
        %get3A_104 = vector.shape_cast %get3A_103 : vector<1x16xf32> to vector<16xf32>
        %get3A_105 = arith.index_cast %select_n3A_80 : i32 to index
        %get3A_106 = arith.constant 96 : index
        %get3A_107 = tpu.vector_load %arg5[%get3A_105, %get3A_106] {strides = array<i32>} : memref<67x1024xf32, #tpu.memory_space<vmem>>, vector<1x16xf32>,
        %get3A_108 = vector.shape_cast %get3A_107 : vector<1x16xf32> to vector<16xf32>
        %get3A_109 = arith.index_cast %select_n3A_80 : i32 to index
        %get3A_110 = arith.constant 112 : index
        %get3A_111 = tpu.vector_load %arg5[%get3A_109, %get3A_110] {strides = array<i32>} : memref<67x1024xf32, #tpu.memory_space<vmem>>, vector<1x16xf32>,
        %get3A_112 = vector.shape_cast %get3A_111 : vector<1x16xf32> to vector<16xf32>
        %get3A_113 = arith.index_cast %select_n3A_80 : i32 to index
        %get3A_114 = arith.constant 128 : index
        %get3A_115 = tpu.vector_load %arg5[%get3A_113, %get3A_114] {strides = array<i32>} : memref<67x1024xf32, #tpu.memory_space<vmem>>, vector<1x16xf32>,
        %get3A_116 = vector.shape_cast %get3A_115 : vector<1x16xf32> to vector<16xf32>
        %get3A_117 = arith.index_cast %select_n3A_80 : i32 to index
        %get3A_118 = arith.constant 144 : index
        %get3A_119 = tpu.vector_load %arg5[%get3A_117, %get3A_118] {strides = array<i32>} : memref<67x1024xf32, #tpu.memory_space<vmem>>, vector<1x16xf32>,
        %get3A_120 = vector.shape_cast %get3A_119 : vector<1x16xf32> to vector<16xf32>
        %get3A_121 = arith.index_cast %select_n3A_80 : i32 to index
        %get3A_122 = arith.constant 160 : index
        %get3A_123 = tpu.vector_load %arg5[%get3A_121, %get3A_122] {strides = array<i32>} : memref<67x1024xf32, #tpu.memory_space<vmem>>, vector<1x16xf32>,
        %get3A_124 = vector.shape_cast %get3A_123 : vector<1x16xf32> to vector<16xf32>
        %get3A_125 = arith.index_cast %select_n3A_80 : i32 to index
        %get3A_126 = arith.constant 176 : index
        %get3A_127 = tpu.vector_load %arg5[%get3A_125, %get3A_126] {strides = array<i32>} : memref<67x1024xf32, #tpu.memory_space<vmem>>, vector<1x16xf32>,
        %get3A_128 = vector.shape_cast %get3A_127 : vector<1x16xf32> to vector<16xf32>
        %get3A_129 = arith.index_cast %select_n3A_80 : i32 to index
        %get3A_130 = arith.constant 192 : index
        %get3A_131 = tpu.vector_load %arg5[%get3A_129, %get3A_130] {strides = array<i32>} : memref<67x1024xf32, #tpu.memory_space<vmem>>, vector<1x16xf32>,
        %get3A_132 = vector.shape_cast %get3A_131 : vector<1x16xf32> to vector<16xf32>
        %get3A_133 = arith.index_cast %select_n3A_80 : i32 to index
        %get3A_134 = arith.constant 208 : index
        %get3A_135 = tpu.vector_load %arg5[%get3A_133, %get3A_134] {strides = array<i32>} : memref<67x1024xf32, #tpu.memory_space<vmem>>, vector<1x16xf32>,
        %get3A_136 = vector.shape_cast %get3A_135 : vector<1x16xf32> to vector<16xf32>
        %get3A_137 = arith.index_cast %select_n3A_80 : i32 to index
        %get3A_138 = arith.constant 224 : index
        %get3A_139 = tpu.vector_load %arg5[%get3A_137, %get3A_138] {strides = array<i32>} : memref<67x1024xf32, #tpu.memory_space<vmem>>, vector<1x16xf32>,
        %get3A_140 = vector.shape_cast %get3A_139 : vector<1x16xf32> to vector<16xf32>
        %get3A_141 = arith.index_cast %select_n3A_80 : i32 to index
        %get3A_142 = arith.constant 240 : index
        %get3A_143 = tpu.vector_load %arg5[%get3A_141, %get3A_142] {strides = array<i32>} : memref<67x1024xf32, #tpu.memory_space<vmem>>, vector<1x16xf32>,
        %get3A_144 = vector.shape_cast %get3A_143 : vector<1x16xf32> to vector<16xf32>
        %swap3A = arith.index_cast %scan3A_61 : i32 to index
        %swap3A_145 = arith.constant 0 : index
        %swap3A_146 = tpu.vector_load %arg8[%swap3A, %swap3A_145] {strides = array<i32>} : memref<16x1024xf32, #tpu.memory_space<vmem>>, vector<1x16xf32>,
        %swap3A_147 = vector.shape_cast %swap3A_146 : vector<1x16xf32> to vector<16xf32>
        %swap3A_148 = vector.shape_cast %get3A_84 : vector<16xf32> to vector<1x16xf32>
        tpu.vector_store %arg8[%swap3A, %swap3A_145], %swap3A_148 {strides = array<i32>} : memref<16x1024xf32, #tpu.memory_space<vmem>>, vector<1x16xf32>,
        %swap3A_149 = arith.index_cast %scan3A_61 : i32 to index
        %swap3A_150 = arith.constant 16 : index
        %swap3A_151 = tpu.vector_load %arg8[%swap3A_149, %swap3A_150] {strides = array<i32>} : memref<16x1024xf32, #tpu.memory_space<vmem>>, vector<1x16xf32>,
        %swap3A_152 = vector.shape_cast %swap3A_151 : vector<1x16xf32> to vector<16xf32>
        %swap3A_153 = vector.shape_cast %get3A_88 : vector<16xf32> to vector<1x16xf32>
        tpu.vector_store %arg8[%swap3A_149, %swap3A_150], %swap3A_153 {strides = array<i32>} : memref<16x1024xf32, #tpu.memory_space<vmem>>, vector<1x16xf32>,
        %swap3A_154 = arith.index_cast %scan3A_61 : i32 to index
        %swap3A_155 = arith.constant 32 : index
        %swap3A_156 = tpu.vector_load %arg8[%swap3A_154, %swap3A_155] {strides = array<i32>} : memref<16x1024xf32, #tpu.memory_space<vmem>>, vector<1x16xf32>,
        %swap3A_157 = vector.shape_cast %swap3A_156 : vector<1x16xf32> to vector<16xf32>
        %swap3A_158 = vector.shape_cast %get3A_92 : vector<16xf32> to vector<1x16xf32>
        tpu.vector_store %arg8[%swap3A_154, %swap3A_155], %swap3A_158 {strides = array<i32>} : memref<16x1024xf32, #tpu.memory_space<vmem>>, vector<1x16xf32>,
        %swap3A_159 = arith.index_cast %scan3A_61 : i32 to index
        %swap3A_160 = arith.constant 48 : index
        %swap3A_161 = tpu.vector_load %arg8[%swap3A_159, %swap3A_160] {strides = array<i32>} : memref<16x1024xf32, #tpu.memory_space<vmem>>, vector<1x16xf32>,
        %swap3A_162 = vector.shape_cast %swap3A_161 : vector<1x16xf32> to vector<16xf32>
        %swap3A_163 = vector.shape_cast %get3A_96 : vector<16xf32> to vector<1x16xf32>
        tpu.vector_store %arg8[%swap3A_159, %swap3A_160], %swap3A_163 {strides = array<i32>} : memref<16x1024xf32, #tpu.memory_space<vmem>>, vector<1x16xf32>,
        %swap3A_164 = arith.index_cast %scan3A_61 : i32 to index
        %swap3A_165 = arith.constant 64 : index
        %swap3A_166 = tpu.vector_load %arg8[%swap3A_164, %swap3A_165] {strides = array<i32>} : memref<16x1024xf32, #tpu.memory_space<vmem>>, vector<1x16xf32>,
        %swap3A_167 = vector.shape_cast %swap3A_166 : vector<1x16xf32> to vector<16xf32>
        %swap3A_168 = vector.shape_cast %get3A_100 : vector<16xf32> to vector<1x16xf32>
        tpu.vector_store %arg8[%swap3A_164, %swap3A_165], %swap3A_168 {strides = array<i32>} : memref<16x1024xf32, #tpu.memory_space<vmem>>, vector<1x16xf32>,
        %swap3A_169 = arith.index_cast %scan3A_61 : i32 to index
        %swap3A_170 = arith.constant 80 : index
        %swap3A_171 = tpu.vector_load %arg8[%swap3A_169, %swap3A_170] {strides = array<i32>} : memref<16x1024xf32, #tpu.memory_space<vmem>>, vector<1x16xf32>,
        %swap3A_172 = vector.shape_cast %swap3A_171 : vector<1x16xf32> to vector<16xf32>
        %swap3A_173 = vector.shape_cast %get3A_104 : vector<16xf32> to vector<1x16xf32>
        tpu.vector_store %arg8[%swap3A_169, %swap3A_170], %swap3A_173 {strides = array<i32>} : memref<16x1024xf32, #tpu.memory_space<vmem>>, vector<1x16xf32>,
        %swap3A_174 = arith.index_cast %scan3A_61 : i32 to index
        %swap3A_175 = arith.constant 96 : index
        %swap3A_176 = tpu.vector_load %arg8[%swap3A_174, %swap3A_175] {strides = array<i32>} : memref<16x1024xf32, #tpu.memory_space<vmem>>, vector<1x16xf32>,
        %swap3A_177 = vector.shape_cast %swap3A_176 : vector<1x16xf32> to vector<16xf32>
        %swap3A_178 = vector.shape_cast %get3A_108 : vector<16xf32> to vector<1x16xf32>
        tpu.vector_store %arg8[%swap3A_174, %swap3A_175], %swap3A_178 {strides = array<i32>} : memref<16x1024xf32, #tpu.memory_space<vmem>>, vector<1x16xf32>,
        %swap3A_179 = arith.index_cast %scan3A_61 : i32 to index
        %swap3A_180 = arith.constant 112 : index
        %swap3A_181 = tpu.vector_load %arg8[%swap3A_179, %swap3A_180] {strides = array<i32>} : memref<16x1024xf32, #tpu.memory_space<vmem>>, vector<1x16xf32>,
        %swap3A_182 = vector.shape_cast %swap3A_181 : vector<1x16xf32> to vector<16xf32>
        %swap3A_183 = vector.shape_cast %get3A_112 : vector<16xf32> to vector<1x16xf32>
        tpu.vector_store %arg8[%swap3A_179, %swap3A_180], %swap3A_183 {strides = array<i32>} : memref<16x1024xf32, #tpu.memory_space<vmem>>, vector<1x16xf32>,
        %swap3A_184 = arith.index_cast %scan3A_61 : i32 to index
        %swap3A_185 = arith.constant 128 : index
        %swap3A_186 = tpu.vector_load %arg8[%swap3A_184, %swap3A_185] {strides = array<i32>} : memref<16x1024xf32, #tpu.memory_space<vmem>>, vector<1x16xf32>,
        %swap3A_187 = vector.shape_cast %swap3A_186 : vector<1x16xf32> to vector<16xf32>
        %swap3A_188 = vector.shape_cast %get3A_116 : vector<16xf32> to vector<1x16xf32>
        tpu.vector_store %arg8[%swap3A_184, %swap3A_185], %swap3A_188 {strides = array<i32>} : memref<16x1024xf32, #tpu.memory_space<vmem>>, vector<1x16xf32>,
        %swap3A_189 = arith.index_cast %scan3A_61 : i32 to index
        %swap3A_190 = arith.constant 144 : index
        %swap3A_191 = tpu.vector_load %arg8[%swap3A_189, %swap3A_190] {strides = array<i32>} : memref<16x1024xf32, #tpu.memory_space<vmem>>, vector<1x16xf32>,
        %swap3A_192 = vector.shape_cast %swap3A_191 : vector<1x16xf32> to vector<16xf32>
        %swap3A_193 = vector.shape_cast %get3A_120 : vector<16xf32> to vector<1x16xf32>
        tpu.vector_store %arg8[%swap3A_189, %swap3A_190], %swap3A_193 {strides = array<i32>} : memref<16x1024xf32, #tpu.memory_space<vmem>>, vector<1x16xf32>,
        %swap3A_194 = arith.index_cast %scan3A_61 : i32 to index
        %swap3A_195 = arith.constant 160 : index
        %swap3A_196 = tpu.vector_load %arg8[%swap3A_194, %swap3A_195] {strides = array<i32>} : memref<16x1024xf32, #tpu.memory_space<vmem>>, vector<1x16xf32>,
        %swap3A_197 = vector.shape_cast %swap3A_196 : vector<1x16xf32> to vector<16xf32>
        %swap3A_198 = vector.shape_cast %get3A_124 : vector<16xf32> to vector<1x16xf32>
        tpu.vector_store %arg8[%swap3A_194, %swap3A_195], %swap3A_198 {strides = array<i32>} : memref<16x1024xf32, #tpu.memory_space<vmem>>, vector<1x16xf32>,
        %swap3A_199 = arith.index_cast %scan3A_61 : i32 to index
        %swap3A_200 = arith.constant 176 : index
        %swap3A_201 = tpu.vector_load %arg8[%swap3A_199, %swap3A_200] {strides = array<i32>} : memref<16x1024xf32, #tpu.memory_space<vmem>>, vector<1x16xf32>,
        %swap3A_202 = vector.shape_cast %swap3A_201 : vector<1x16xf32> to vector<16xf32>
        %swap3A_203 = vector.shape_cast %get3A_128 : vector<16xf32> to vector<1x16xf32>
        tpu.vector_store %arg8[%swap3A_199, %swap3A_200], %swap3A_203 {strides = array<i32>} : memref<16x1024xf32, #tpu.memory_space<vmem>>, vector<1x16xf32>,
        %swap3A_204 = arith.index_cast %scan3A_61 : i32 to index
        %swap3A_205 = arith.constant 192 : index
        %swap3A_206 = tpu.vector_load %arg8[%swap3A_204, %swap3A_205] {strides = array<i32>} : memref<16x1024xf32, #tpu.memory_space<vmem>>, vector<1x16xf32>,
        %swap3A_207 = vector.shape_cast %swap3A_206 : vector<1x16xf32> to vector<16xf32>
        %swap3A_208 = vector.shape_cast %get3A_132 : vector<16xf32> to vector<1x16xf32>
        tpu.vector_store %arg8[%swap3A_204, %swap3A_205], %swap3A_208 {strides = array<i32>} : memref<16x1024xf32, #tpu.memory_space<vmem>>, vector<1x16xf32>,
        %swap3A_209 = arith.index_cast %scan3A_61 : i32 to index
        %swap3A_210 = arith.constant 208 : index
        %swap3A_211 = tpu.vector_load %arg8[%swap3A_209, %swap3A_210] {strides = array<i32>} : memref<16x1024xf32, #tpu.memory_space<vmem>>, vector<1x16xf32>,
        %swap3A_212 = vector.shape_cast %swap3A_211 : vector<1x16xf32> to vector<16xf32>
        %swap3A_213 = vector.shape_cast %get3A_136 : vector<16xf32> to vector<1x16xf32>
        tpu.vector_store %arg8[%swap3A_209, %swap3A_210], %swap3A_213 {strides = array<i32>} : memref<16x1024xf32, #tpu.memory_space<vmem>>, vector<1x16xf32>,
        %swap3A_214 = arith.index_cast %scan3A_61 : i32 to index
        %swap3A_215 = arith.constant 224 : index
        %swap3A_216 = tpu.vector_load %arg8[%swap3A_214, %swap3A_215] {strides = array<i32>} : memref<16x1024xf32, #tpu.memory_space<vmem>>, vector<1x16xf32>,
        %swap3A_217 = vector.shape_cast %swap3A_216 : vector<1x16xf32> to vector<16xf32>
        %swap3A_218 = vector.shape_cast %get3A_140 : vector<16xf32> to vector<1x16xf32>
        tpu.vector_store %arg8[%swap3A_214, %swap3A_215], %swap3A_218 {strides = array<i32>} : memref<16x1024xf32, #tpu.memory_space<vmem>>, vector<1x16xf32>,
        %swap3A_219 = arith.index_cast %scan3A_61 : i32 to index
        %swap3A_220 = arith.constant 240 : index
        %swap3A_221 = tpu.vector_load %arg8[%swap3A_219, %swap3A_220] {strides = array<i32>} : memref<16x1024xf32, #tpu.memory_space<vmem>>, vector<1x16xf32>,
        %swap3A_222 = vector.shape_cast %swap3A_221 : vector<1x16xf32> to vector<16xf32>
        %swap3A_223 = vector.shape_cast %get3A_144 : vector<16xf32> to vector<1x16xf32>
        tpu.vector_store %arg8[%swap3A_219, %swap3A_220], %swap3A_223 {strides = array<i32>} : memref<16x1024xf32, #tpu.memory_space<vmem>>, vector<1x16xf32>,
        %get3A_224 = arith.index_cast %select_n3A_80 : i32 to index
        %get3A_225 = arith.constant 256 : index
        %get3A_226 = tpu.vector_load %arg5[%get3A_224, %get3A_225] {strides = array<i32>} : memref<67x1024xf32, #tpu.memory_space<vmem>>, vector<1x16xf32>,
        %get3A_227 = vector.shape_cast %get3A_226 : vector<1x16xf32> to vector<16xf32>
        %get3A_228 = arith.index_cast %select_n3A_80 : i32 to index
        %get3A_229 = arith.constant 272 : index
        %get3A_230 = tpu.vector_load %arg5[%get3A_228, %get3A_229] {strides = array<i32>} : memref<67x1024xf32, #tpu.memory_space<vmem>>, vector<1x16xf32>,
        %get3A_231 = vector.shape_cast %get3A_230 : vector<1x16xf32> to vector<16xf32>
        %get3A_232 = arith.index_cast %select_n3A_80 : i32 to index
        %get3A_233 = arith.constant 288 : index
        %get3A_234 = tpu.vector_load %arg5[%get3A_232, %get3A_233] {strides = array<i32>} : memref<67x1024xf32, #tpu.memory_space<vmem>>, vector<1x16xf32>,
        %get3A_235 = vector.shape_cast %get3A_234 : vector<1x16xf32> to vector<16xf32>
        %get3A_236 = arith.index_cast %select_n3A_80 : i32 to index
        %get3A_237 = arith.constant 304 : index
        %get3A_238 = tpu.vector_load %arg5[%get3A_236, %get3A_237] {strides = array<i32>} : memref<67x1024xf32, #tpu.memory_space<vmem>>, vector<1x16xf32>,
        %get3A_239 = vector.shape_cast %get3A_238 : vector<1x16xf32> to vector<16xf32>
        %get3A_240 = arith.index_cast %select_n3A_80 : i32 to index
        %get3A_241 = arith.constant 320 : index
        %get3A_242 = tpu.vector_load %arg5[%get3A_240, %get3A_241] {strides = array<i32>} : memref<67x1024xf32, #tpu.memory_space<vmem>>, vector<1x16xf32>,
        %get3A_243 = vector.shape_cast %get3A_242 : vector<1x16xf32> to vector<16xf32>
        %get3A_244 = arith.index_cast %select_n3A_80 : i32 to index
        %get3A_245 = arith.constant 336 : index
        %get3A_246 = tpu.vector_load %arg5[%get3A_244, %get3A_245] {strides = array<i32>} : memref<67x1024xf32, #tpu.memory_space<vmem>>, vector<1x16xf32>,
        %get3A_247 = vector.shape_cast %get3A_246 : vector<1x16xf32> to vector<16xf32>
        %get3A_248 = arith.index_cast %select_n3A_80 : i32 to index
        %get3A_249 = arith.constant 352 : index
        %get3A_250 = tpu.vector_load %arg5[%get3A_248, %get3A_249] {strides = array<i32>} : memref<67x1024xf32, #tpu.memory_space<vmem>>, vector<1x16xf32>,
        %get3A_251 = vector.shape_cast %get3A_250 : vector<1x16xf32> to vector<16xf32>
        %get3A_252 = arith.index_cast %select_n3A_80 : i32 to index
        %get3A_253 = arith.constant 368 : index
        %get3A_254 = tpu.vector_load %arg5[%get3A_252, %get3A_253] {strides = array<i32>} : memref<67x1024xf32, #tpu.memory_space<vmem>>, vector<1x16xf32>,
        %get3A_255 = vector.shape_cast %get3A_254 : vector<1x16xf32> to vector<16xf32>
        %get3A_256 = arith.index_cast %select_n3A_80 : i32 to index
        %get3A_257 = arith.constant 384 : index
        %get3A_258 = tpu.vector_load %arg5[%get3A_256, %get3A_257] {strides = array<i32>} : memref<67x1024xf32, #tpu.memory_space<vmem>>, vector<1x16xf32>,
        %get3A_259 = vector.shape_cast %get3A_258 : vector<1x16xf32> to vector<16xf32>
        %get3A_260 = arith.index_cast %select_n3A_80 : i32 to index
        %get3A_261 = arith.constant 400 : index
        %get3A_262 = tpu.vector_load %arg5[%get3A_260, %get3A_261] {strides = array<i32>} : memref<67x1024xf32, #tpu.memory_space<vmem>>, vector<1x16xf32>,
        %get3A_263 = vector.shape_cast %get3A_262 : vector<1x16xf32> to vector<16xf32>
        %get3A_264 = arith.index_cast %select_n3A_80 : i32 to index
        %get3A_265 = arith.constant 416 : index
        %get3A_266 = tpu.vector_load %arg5[%get3A_264, %get3A_265] {strides = array<i32>} : memref<67x1024xf32, #tpu.memory_space<vmem>>, vector<1x16xf32>,
        %get3A_267 = vector.shape_cast %get3A_266 : vector<1x16xf32> to vector<16xf32>
        %get3A_268 = arith.index_cast %select_n3A_80 : i32 to index
        %get3A_269 = arith.constant 432 : index
        %get3A_270 = tpu.vector_load %arg5[%get3A_268, %get3A_269] {strides = array<i32>} : memref<67x1024xf32, #tpu.memory_space<vmem>>, vector<1x16xf32>,
        %get3A_271 = vector.shape_cast %get3A_270 : vector<1x16xf32> to vector<16xf32>
        %get3A_272 = arith.index_cast %select_n3A_80 : i32 to index
        %get3A_273 = arith.constant 448 : index
        %get3A_274 = tpu.vector_load %arg5[%get3A_272, %get3A_273] {strides = array<i32>} : memref<67x1024xf32, #tpu.memory_space<vmem>>, vector<1x16xf32>,
        %get3A_275 = vector.shape_cast %get3A_274 : vector<1x16xf32> to vector<16xf32>
        %get3A_276 = arith.index_cast %select_n3A_80 : i32 to index
        %get3A_277 = arith.constant 464 : index
        %get3A_278 = tpu.vector_load %arg5[%get3A_276, %get3A_277] {strides = array<i32>} : memref<67x1024xf32, #tpu.memory_space<vmem>>, vector<1x16xf32>,
        %get3A_279 = vector.shape_cast %get3A_278 : vector<1x16xf32> to vector<16xf32>
        %get3A_280 = arith.index_cast %select_n3A_80 : i32 to index
        %get3A_281 = arith.constant 480 : index
        %get3A_282 = tpu.vector_load %arg5[%get3A_280, %get3A_281] {strides = array<i32>} : memref<67x1024xf32, #tpu.memory_space<vmem>>, vector<1x16xf32>,
        %get3A_283 = vector.shape_cast %get3A_282 : vector<1x16xf32> to vector<16xf32>
        %get3A_284 = arith.index_cast %select_n3A_80 : i32 to index
        %get3A_285 = arith.constant 496 : index
        %get3A_286 = tpu.vector_load %arg5[%get3A_284, %get3A_285] {strides = array<i32>} : memref<67x1024xf32, #tpu.memory_space<vmem>>, vector<1x16xf32>,
        %get3A_287 = vector.shape_cast %get3A_286 : vector<1x16xf32> to vector<16xf32>
        %swap3A_288 = arith.index_cast %scan3A_61 : i32 to index
        %swap3A_289 = arith.constant 256 : index
        %swap3A_290 = tpu.vector_load %arg8[%swap3A_288, %swap3A_289] {strides = array<i32>} : memref<16x1024xf32, #tpu.memory_space<vmem>>, vector<1x16xf32>,
        %swap3A_291 = vector.shape_cast %swap3A_290 : vector<1x16xf32> to vector<16xf32>
        %swap3A_292 = vector.shape_cast %get3A_227 : vector<16xf32> to vector<1x16xf32>
        tpu.vector_store %arg8[%swap3A_288, %swap3A_289], %swap3A_292 {strides = array<i32>} : memref<16x1024xf32, #tpu.memory_space<vmem>>, vector<1x16xf32>,
        %swap3A_293 = arith.index_cast %scan3A_61 : i32 to index
        %swap3A_294 = arith.constant 272 : index
        %swap3A_295 = tpu.vector_load %arg8[%swap3A_293, %swap3A_294] {strides = array<i32>} : memref<16x1024xf32, #tpu.memory_space<vmem>>, vector<1x16xf32>,
        %swap3A_296 = vector.shape_cast %swap3A_295 : vector<1x16xf32> to vector<16xf32>
        %swap3A_297 = vector.shape_cast %get3A_231 : vector<16xf32> to vector<1x16xf32>
        tpu.vector_store %arg8[%swap3A_293, %swap3A_294], %swap3A_297 {strides = array<i32>} : memref<16x1024xf32, #tpu.memory_space<vmem>>, vector<1x16xf32>,
        %swap3A_298 = arith.index_cast %scan3A_61 : i32 to index
        %swap3A_299 = arith.constant 288 : index
        %swap3A_300 = tpu.vector_load %arg8[%swap3A_298, %swap3A_299] {strides = array<i32>} : memref<16x1024xf32, #tpu.memory_space<vmem>>, vector<1x16xf32>,
        %swap3A_301 = vector.shape_cast %swap3A_300 : vector<1x16xf32> to vector<16xf32>
        %swap3A_302 = vector.shape_cast %get3A_235 : vector<16xf32> to vector<1x16xf32>
        tpu.vector_store %arg8[%swap3A_298, %swap3A_299], %swap3A_302 {strides = array<i32>} : memref<16x1024xf32, #tpu.memory_space<vmem>>, vector<1x16xf32>,
        %swap3A_303 = arith.index_cast %scan3A_61 : i32 to index
        %swap3A_304 = arith.constant 304 : index
        %swap3A_305 = tpu.vector_load %arg8[%swap3A_303, %swap3A_304] {strides = array<i32>} : memref<16x1024xf32, #tpu.memory_space<vmem>>, vector<1x16xf32>,
        %swap3A_306 = vector.shape_cast %swap3A_305 : vector<1x16xf32> to vector<16xf32>
        %swap3A_307 = vector.shape_cast %get3A_239 : vector<16xf32> to vector<1x16xf32>
        tpu.vector_store %arg8[%swap3A_303, %swap3A_304], %swap3A_307 {strides = array<i32>} : memref<16x1024xf32, #tpu.memory_space<vmem>>, vector<1x16xf32>,
        %swap3A_308 = arith.index_cast %scan3A_61 : i32 to index
        %swap3A_309 = arith.constant 320 : index
        %swap3A_310 = tpu.vector_load %arg8[%swap3A_308, %swap3A_309] {strides = array<i32>} : memref<16x1024xf32, #tpu.memory_space<vmem>>, vector<1x16xf32>,
        %swap3A_311 = vector.shape_cast %swap3A_310 : vector<1x16xf32> to vector<16xf32>
        %swap3A_312 = vector.shape_cast %get3A_243 : vector<16xf32> to vector<1x16xf32>
        tpu.vector_store %arg8[%swap3A_308, %swap3A_309], %swap3A_312 {strides = array<i32>} : memref<16x1024xf32, #tpu.memory_space<vmem>>, vector<1x16xf32>,
        %swap3A_313 = arith.index_cast %scan3A_61 : i32 to index
        %swap3A_314 = arith.constant 336 : index
        %swap3A_315 = tpu.vector_load %arg8[%swap3A_313, %swap3A_314] {strides = array<i32>} : memref<16x1024xf32, #tpu.memory_space<vmem>>, vector<1x16xf32>,
        %swap3A_316 = vector.shape_cast %swap3A_315 : vector<1x16xf32> to vector<16xf32>
        %swap3A_317 = vector.shape_cast %get3A_247 : vector<16xf32> to vector<1x16xf32>
        tpu.vector_store %arg8[%swap3A_313, %swap3A_314], %swap3A_317 {strides = array<i32>} : memref<16x1024xf32, #tpu.memory_space<vmem>>, vector<1x16xf32>,
        %swap3A_318 = arith.index_cast %scan3A_61 : i32 to index
        %swap3A_319 = arith.constant 352 : index
        %swap3A_320 = tpu.vector_load %arg8[%swap3A_318, %swap3A_319] {strides = array<i32>} : memref<16x1024xf32, #tpu.memory_space<vmem>>, vector<1x16xf32>,
        %swap3A_321 = vector.shape_cast %swap3A_320 : vector<1x16xf32> to vector<16xf32>
        %swap3A_322 = vector.shape_cast %get3A_251 : vector<16xf32> to vector<1x16xf32>
        tpu.vector_store %arg8[%swap3A_318, %swap3A_319], %swap3A_322 {strides = array<i32>} : memref<16x1024xf32, #tpu.memory_space<vmem>>, vector<1x16xf32>,
        %swap3A_323 = arith.index_cast %scan3A_61 : i32 to index
        %swap3A_324 = arith.constant 368 : index
        %swap3A_325 = tpu.vector_load %arg8[%swap3A_323, %swap3A_324] {strides = array<i32>} : memref<16x1024xf32, #tpu.memory_space<vmem>>, vector<1x16xf32>,
        %swap3A_326 = vector.shape_cast %swap3A_325 : vector<1x16xf32> to vector<16xf32>
        %swap3A_327 = vector.shape_cast %get3A_255 : vector<16xf32> to vector<1x16xf32>
        tpu.vector_store %arg8[%swap3A_323, %swap3A_324], %swap3A_327 {strides = array<i32>} : memref<16x1024xf32, #tpu.memory_space<vmem>>, vector<1x16xf32>,
        %swap3A_328 = arith.index_cast %scan3A_61 : i32 to index
        %swap3A_329 = arith.constant 384 : index
        %swap3A_330 = tpu.vector_load %arg8[%swap3A_328, %swap3A_329] {strides = array<i32>} : memref<16x1024xf32, #tpu.memory_space<vmem>>, vector<1x16xf32>,
        %swap3A_331 = vector.shape_cast %swap3A_330 : vector<1x16xf32> to vector<16xf32>
        %swap3A_332 = vector.shape_cast %get3A_259 : vector<16xf32> to vector<1x16xf32>
        tpu.vector_store %arg8[%swap3A_328, %swap3A_329], %swap3A_332 {strides = array<i32>} : memref<16x1024xf32, #tpu.memory_space<vmem>>, vector<1x16xf32>,
        %swap3A_333 = arith.index_cast %scan3A_61 : i32 to index
        %swap3A_334 = arith.constant 400 : index
        %swap3A_335 = tpu.vector_load %arg8[%swap3A_333, %swap3A_334] {strides = array<i32>} : memref<16x1024xf32, #tpu.memory_space<vmem>>, vector<1x16xf32>,
        %swap3A_336 = vector.shape_cast %swap3A_335 : vector<1x16xf32> to vector<16xf32>
        %swap3A_337 = vector.shape_cast %get3A_263 : vector<16xf32> to vector<1x16xf32>
        tpu.vector_store %arg8[%swap3A_333, %swap3A_334], %swap3A_337 {strides = array<i32>} : memref<16x1024xf32, #tpu.memory_space<vmem>>, vector<1x16xf32>,
        %swap3A_338 = arith.index_cast %scan3A_61 : i32 to index
        %swap3A_339 = arith.constant 416 : index
        %swap3A_340 = tpu.vector_load %arg8[%swap3A_338, %swap3A_339] {strides = array<i32>} : memref<16x1024xf32, #tpu.memory_space<vmem>>, vector<1x16xf32>,
        %swap3A_341 = vector.shape_cast %swap3A_340 : vector<1x16xf32> to vector<16xf32>
        %swap3A_342 = vector.shape_cast %get3A_267 : vector<16xf32> to vector<1x16xf32>
        tpu.vector_store %arg8[%swap3A_338, %swap3A_339], %swap3A_342 {strides = array<i32>} : memref<16x1024xf32, #tpu.memory_space<vmem>>, vector<1x16xf32>,
        %swap3A_343 = arith.index_cast %scan3A_61 : i32 to index
        %swap3A_344 = arith.constant 432 : index
        %swap3A_345 = tpu.vector_load %arg8[%swap3A_343, %swap3A_344] {strides = array<i32>} : memref<16x1024xf32, #tpu.memory_space<vmem>>, vector<1x16xf32>,
        %swap3A_346 = vector.shape_cast %swap3A_345 : vector<1x16xf32> to vector<16xf32>
        %swap3A_347 = vector.shape_cast %get3A_271 : vector<16xf32> to vector<1x16xf32>
        tpu.vector_store %arg8[%swap3A_343, %swap3A_344], %swap3A_347 {strides = array<i32>} : memref<16x1024xf32, #tpu.memory_space<vmem>>, vector<1x16xf32>,
        %swap3A_348 = arith.index_cast %scan3A_61 : i32 to index
        %swap3A_349 = arith.constant 448 : index
        %swap3A_350 = tpu.vector_load %arg8[%swap3A_348, %swap3A_349] {strides = array<i32>} : memref<16x1024xf32, #tpu.memory_space<vmem>>, vector<1x16xf32>,
        %swap3A_351 = vector.shape_cast %swap3A_350 : vector<1x16xf32> to vector<16xf32>
        %swap3A_352 = vector.shape_cast %get3A_275 : vector<16xf32> to vector<1x16xf32>
        tpu.vector_store %arg8[%swap3A_348, %swap3A_349], %swap3A_352 {strides = array<i32>} : memref<16x1024xf32, #tpu.memory_space<vmem>>, vector<1x16xf32>,
        %swap3A_353 = arith.index_cast %scan3A_61 : i32 to index
        %swap3A_354 = arith.constant 464 : index
        %swap3A_355 = tpu.vector_load %arg8[%swap3A_353, %swap3A_354] {strides = array<i32>} : memref<16x1024xf32, #tpu.memory_space<vmem>>, vector<1x16xf32>,
        %swap3A_356 = vector.shape_cast %swap3A_355 : vector<1x16xf32> to vector<16xf32>
        %swap3A_357 = vector.shape_cast %get3A_279 : vector<16xf32> to vector<1x16xf32>
        tpu.vector_store %arg8[%swap3A_353, %swap3A_354], %swap3A_357 {strides = array<i32>} : memref<16x1024xf32, #tpu.memory_space<vmem>>, vector<1x16xf32>,
        %swap3A_358 = arith.index_cast %scan3A_61 : i32 to index
        %swap3A_359 = arith.constant 480 : index
        %swap3A_360 = tpu.vector_load %arg8[%swap3A_358, %swap3A_359] {strides = array<i32>} : memref<16x1024xf32, #tpu.memory_space<vmem>>, vector<1x16xf32>,
        %swap3A_361 = vector.shape_cast %swap3A_360 : vector<1x16xf32> to vector<16xf32>
        %swap3A_362 = vector.shape_cast %get3A_283 : vector<16xf32> to vector<1x16xf32>
        tpu.vector_store %arg8[%swap3A_358, %swap3A_359], %swap3A_362 {strides = array<i32>} : memref<16x1024xf32, #tpu.memory_space<vmem>>, vector<1x16xf32>,
        %swap3A_363 = arith.index_cast %scan3A_61 : i32 to index
        %swap3A_364 = arith.constant 496 : index
        %swap3A_365 = tpu.vector_load %arg8[%swap3A_363, %swap3A_364] {strides = array<i32>} : memref<16x1024xf32, #tpu.memory_space<vmem>>, vector<1x16xf32>,
        %swap3A_366 = vector.shape_cast %swap3A_365 : vector<1x16xf32> to vector<16xf32>
        %swap3A_367 = vector.shape_cast %get3A_287 : vector<16xf32> to vector<1x16xf32>
        tpu.vector_store %arg8[%swap3A_363, %swap3A_364], %swap3A_367 {strides = array<i32>} : memref<16x1024xf32, #tpu.memory_space<vmem>>, vector<1x16xf32>,
        %get3A_368 = arith.index_cast %select_n3A_80 : i32 to index
        %get3A_369 = arith.constant 512 : index
        %get3A_370 = tpu.vector_load %arg5[%get3A_368, %get3A_369] {strides = array<i32>} : memref<67x1024xf32, #tpu.memory_space<vmem>>, vector<1x16xf32>,
        %get3A_371 = vector.shape_cast %get3A_370 : vector<1x16xf32> to vector<16xf32>
        %get3A_372 = arith.index_cast %select_n3A_80 : i32 to index
        %get3A_373 = arith.constant 528 : index
        %get3A_374 = tpu.vector_load %arg5[%get3A_372, %get3A_373] {strides = array<i32>} : memref<67x1024xf32, #tpu.memory_space<vmem>>, vector<1x16xf32>,
        %get3A_375 = vector.shape_cast %get3A_374 : vector<1x16xf32> to vector<16xf32>
        %get3A_376 = arith.index_cast %select_n3A_80 : i32 to index
        %get3A_377 = arith.constant 544 : index
        %get3A_378 = tpu.vector_load %arg5[%get3A_376, %get3A_377] {strides = array<i32>} : memref<67x1024xf32, #tpu.memory_space<vmem>>, vector<1x16xf32>,
        %get3A_379 = vector.shape_cast %get3A_378 : vector<1x16xf32> to vector<16xf32>
        %get3A_380 = arith.index_cast %select_n3A_80 : i32 to index
        %get3A_381 = arith.constant 560 : index
        %get3A_382 = tpu.vector_load %arg5[%get3A_380, %get3A_381] {strides = array<i32>} : memref<67x1024xf32, #tpu.memory_space<vmem>>, vector<1x16xf32>,
        %get3A_383 = vector.shape_cast %get3A_382 : vector<1x16xf32> to vector<16xf32>
        %get3A_384 = arith.index_cast %select_n3A_80 : i32 to index
        %get3A_385 = arith.constant 576 : index
        %get3A_386 = tpu.vector_load %arg5[%get3A_384, %get3A_385] {strides = array<i32>} : memref<67x1024xf32, #tpu.memory_space<vmem>>, vector<1x16xf32>,
        %get3A_387 = vector.shape_cast %get3A_386 : vector<1x16xf32> to vector<16xf32>
        %get3A_388 = arith.index_cast %select_n3A_80 : i32 to index
        %get3A_389 = arith.constant 592 : index
        %get3A_390 = tpu.vector_load %arg5[%get3A_388, %get3A_389] {strides = array<i32>} : memref<67x1024xf32, #tpu.memory_space<vmem>>, vector<1x16xf32>,
        %get3A_391 = vector.shape_cast %get3A_390 : vector<1x16xf32> to vector<16xf32>
        %get3A_392 = arith.index_cast %select_n3A_80 : i32 to index
        %get3A_393 = arith.constant 608 : index
        %get3A_394 = tpu.vector_load %arg5[%get3A_392, %get3A_393] {strides = array<i32>} : memref<67x1024xf32, #tpu.memory_space<vmem>>, vector<1x16xf32>,
        %get3A_395 = vector.shape_cast %get3A_394 : vector<1x16xf32> to vector<16xf32>
        %get3A_396 = arith.index_cast %select_n3A_80 : i32 to index
        %get3A_397 = arith.constant 624 : index
        %get3A_398 = tpu.vector_load %arg5[%get3A_396, %get3A_397] {strides = array<i32>} : memref<67x1024xf32, #tpu.memory_space<vmem>>, vector<1x16xf32>,
        %get3A_399 = vector.shape_cast %get3A_398 : vector<1x16xf32> to vector<16xf32>
        %get3A_400 = arith.index_cast %select_n3A_80 : i32 to index
        %get3A_401 = arith.constant 640 : index
        %get3A_402 = tpu.vector_load %arg5[%get3A_400, %get3A_401] {strides = array<i32>} : memref<67x1024xf32, #tpu.memory_space<vmem>>, vector<1x16xf32>,
        %get3A_403 = vector.shape_cast %get3A_402 : vector<1x16xf32> to vector<16xf32>
        %get3A_404 = arith.index_cast %select_n3A_80 : i32 to index
        %get3A_405 = arith.constant 656 : index
        %get3A_406 = tpu.vector_load %arg5[%get3A_404, %get3A_405] {strides = array<i32>} : memref<67x1024xf32, #tpu.memory_space<vmem>>, vector<1x16xf32>,
        %get3A_407 = vector.shape_cast %get3A_406 : vector<1x16xf32> to vector<16xf32>
        %get3A_408 = arith.index_cast %select_n3A_80 : i32 to index
        %get3A_409 = arith.constant 672 : index
        %get3A_410 = tpu.vector_load %arg5[%get3A_408, %get3A_409] {strides = array<i32>} : memref<67x1024xf32, #tpu.memory_space<vmem>>, vector<1x16xf32>,
        %get3A_411 = vector.shape_cast %get3A_410 : vector<1x16xf32> to vector<16xf32>
        %get3A_412 = arith.index_cast %select_n3A_80 : i32 to index
        %get3A_413 = arith.constant 688 : index
        %get3A_414 = tpu.vector_load %arg5[%get3A_412, %get3A_413] {strides = array<i32>} : memref<67x1024xf32, #tpu.memory_space<vmem>>, vector<1x16xf32>,
        %get3A_415 = vector.shape_cast %get3A_414 : vector<1x16xf32> to vector<16xf32>
        %get3A_416 = arith.index_cast %select_n3A_80 : i32 to index
        %get3A_417 = arith.constant 704 : index
        %get3A_418 = tpu.vector_load %arg5[%get3A_416, %get3A_417] {strides = array<i32>} : memref<67x1024xf32, #tpu.memory_space<vmem>>, vector<1x16xf32>,
        %get3A_419 = vector.shape_cast %get3A_418 : vector<1x16xf32> to vector<16xf32>
        %get3A_420 = arith.index_cast %select_n3A_80 : i32 to index
        %get3A_421 = arith.constant 720 : index
        %get3A_422 = tpu.vector_load %arg5[%get3A_420, %get3A_421] {strides = array<i32>} : memref<67x1024xf32, #tpu.memory_space<vmem>>, vector<1x16xf32>,
        %get3A_423 = vector.shape_cast %get3A_422 : vector<1x16xf32> to vector<16xf32>
        %get3A_424 = arith.index_cast %select_n3A_80 : i32 to index
        %get3A_425 = arith.constant 736 : index
        %get3A_426 = tpu.vector_load %arg5[%get3A_424, %get3A_425] {strides = array<i32>} : memref<67x1024xf32, #tpu.memory_space<vmem>>, vector<1x16xf32>,
        %get3A_427 = vector.shape_cast %get3A_426 : vector<1x16xf32> to vector<16xf32>
        %get3A_428 = arith.index_cast %select_n3A_80 : i32 to index
        %get3A_429 = arith.constant 752 : index
        %get3A_430 = tpu.vector_load %arg5[%get3A_428, %get3A_429] {strides = array<i32>} : memref<67x1024xf32, #tpu.memory_space<vmem>>, vector<1x16xf32>,
        %get3A_431 = vector.shape_cast %get3A_430 : vector<1x16xf32> to vector<16xf32>
        %swap3A_432 = arith.index_cast %scan3A_61 : i32 to index
        %swap3A_433 = arith.constant 512 : index
        %swap3A_434 = tpu.vector_load %arg8[%swap3A_432, %swap3A_433] {strides = array<i32>} : memref<16x1024xf32, #tpu.memory_space<vmem>>, vector<1x16xf32>,
        %swap3A_435 = vector.shape_cast %swap3A_434 : vector<1x16xf32> to vector<16xf32>
        %swap3A_436 = vector.shape_cast %get3A_371 : vector<16xf32> to vector<1x16xf32>
        tpu.vector_store %arg8[%swap3A_432, %swap3A_433], %swap3A_436 {strides = array<i32>} : memref<16x1024xf32, #tpu.memory_space<vmem>>, vector<1x16xf32>,
        %swap3A_437 = arith.index_cast %scan3A_61 : i32 to index
        %swap3A_438 = arith.constant 528 : index
        %swap3A_439 = tpu.vector_load %arg8[%swap3A_437, %swap3A_438] {strides = array<i32>} : memref<16x1024xf32, #tpu.memory_space<vmem>>, vector<1x16xf32>,
        %swap3A_440 = vector.shape_cast %swap3A_439 : vector<1x16xf32> to vector<16xf32>
        %swap3A_441 = vector.shape_cast %get3A_375 : vector<16xf32> to vector<1x16xf32>
        tpu.vector_store %arg8[%swap3A_437, %swap3A_438], %swap3A_441 {strides = array<i32>} : memref<16x1024xf32, #tpu.memory_space<vmem>>, vector<1x16xf32>,
        %swap3A_442 = arith.index_cast %scan3A_61 : i32 to index
        %swap3A_443 = arith.constant 544 : index
        %swap3A_444 = tpu.vector_load %arg8[%swap3A_442, %swap3A_443] {strides = array<i32>} : memref<16x1024xf32, #tpu.memory_space<vmem>>, vector<1x16xf32>,
        %swap3A_445 = vector.shape_cast %swap3A_444 : vector<1x16xf32> to vector<16xf32>
        %swap3A_446 = vector.shape_cast %get3A_379 : vector<16xf32> to vector<1x16xf32>
        tpu.vector_store %arg8[%swap3A_442, %swap3A_443], %swap3A_446 {strides = array<i32>} : memref<16x1024xf32, #tpu.memory_space<vmem>>, vector<1x16xf32>,
        %swap3A_447 = arith.index_cast %scan3A_61 : i32 to index
        %swap3A_448 = arith.constant 560 : index
        %swap3A_449 = tpu.vector_load %arg8[%swap3A_447, %swap3A_448] {strides = array<i32>} : memref<16x1024xf32, #tpu.memory_space<vmem>>, vector<1x16xf32>,
        %swap3A_450 = vector.shape_cast %swap3A_449 : vector<1x16xf32> to vector<16xf32>
        %swap3A_451 = vector.shape_cast %get3A_383 : vector<16xf32> to vector<1x16xf32>
        tpu.vector_store %arg8[%swap3A_447, %swap3A_448], %swap3A_451 {strides = array<i32>} : memref<16x1024xf32, #tpu.memory_space<vmem>>, vector<1x16xf32>,
        %swap3A_452 = arith.index_cast %scan3A_61 : i32 to index
        %swap3A_453 = arith.constant 576 : index
        %swap3A_454 = tpu.vector_load %arg8[%swap3A_452, %swap3A_453] {strides = array<i32>} : memref<16x1024xf32, #tpu.memory_space<vmem>>, vector<1x16xf32>,
        %swap3A_455 = vector.shape_cast %swap3A_454 : vector<1x16xf32> to vector<16xf32>
        %swap3A_456 = vector.shape_cast %get3A_387 : vector<16xf32> to vector<1x16xf32>
        tpu.vector_store %arg8[%swap3A_452, %swap3A_453], %swap3A_456 {strides = array<i32>} : memref<16x1024xf32, #tpu.memory_space<vmem>>, vector<1x16xf32>,
        %swap3A_457 = arith.index_cast %scan3A_61 : i32 to index
        %swap3A_458 = arith.constant 592 : index
        %swap3A_459 = tpu.vector_load %arg8[%swap3A_457, %swap3A_458] {strides = array<i32>} : memref<16x1024xf32, #tpu.memory_space<vmem>>, vector<1x16xf32>,
        %swap3A_460 = vector.shape_cast %swap3A_459 : vector<1x16xf32> to vector<16xf32>
        %swap3A_461 = vector.shape_cast %get3A_391 : vector<16xf32> to vector<1x16xf32>
        tpu.vector_store %arg8[%swap3A_457, %swap3A_458], %swap3A_461 {strides = array<i32>} : memref<16x1024xf32, #tpu.memory_space<vmem>>, vector<1x16xf32>,
        %swap3A_462 = arith.index_cast %scan3A_61 : i32 to index
        %swap3A_463 = arith.constant 608 : index
        %swap3A_464 = tpu.vector_load %arg8[%swap3A_462, %swap3A_463] {strides = array<i32>} : memref<16x1024xf32, #tpu.memory_space<vmem>>, vector<1x16xf32>,
        %swap3A_465 = vector.shape_cast %swap3A_464 : vector<1x16xf32> to vector<16xf32>
        %swap3A_466 = vector.shape_cast %get3A_395 : vector<16xf32> to vector<1x16xf32>
        tpu.vector_store %arg8[%swap3A_462, %swap3A_463], %swap3A_466 {strides = array<i32>} : memref<16x1024xf32, #tpu.memory_space<vmem>>, vector<1x16xf32>,
        %swap3A_467 = arith.index_cast %scan3A_61 : i32 to index
        %swap3A_468 = arith.constant 624 : index
        %swap3A_469 = tpu.vector_load %arg8[%swap3A_467, %swap3A_468] {strides = array<i32>} : memref<16x1024xf32, #tpu.memory_space<vmem>>, vector<1x16xf32>,
        %swap3A_470 = vector.shape_cast %swap3A_469 : vector<1x16xf32> to vector<16xf32>
        %swap3A_471 = vector.shape_cast %get3A_399 : vector<16xf32> to vector<1x16xf32>
        tpu.vector_store %arg8[%swap3A_467, %swap3A_468], %swap3A_471 {strides = array<i32>} : memref<16x1024xf32, #tpu.memory_space<vmem>>, vector<1x16xf32>,
        %swap3A_472 = arith.index_cast %scan3A_61 : i32 to index
        %swap3A_473 = arith.constant 640 : index
        %swap3A_474 = tpu.vector_load %arg8[%swap3A_472, %swap3A_473] {strides = array<i32>} : memref<16x1024xf32, #tpu.memory_space<vmem>>, vector<1x16xf32>,
        %swap3A_475 = vector.shape_cast %swap3A_474 : vector<1x16xf32> to vector<16xf32>
        %swap3A_476 = vector.shape_cast %get3A_403 : vector<16xf32> to vector<1x16xf32>
        tpu.vector_store %arg8[%swap3A_472, %swap3A_473], %swap3A_476 {strides = array<i32>} : memref<16x1024xf32, #tpu.memory_space<vmem>>, vector<1x16xf32>,
        %swap3A_477 = arith.index_cast %scan3A_61 : i32 to index
        %swap3A_478 = arith.constant 656 : index
        %swap3A_479 = tpu.vector_load %arg8[%swap3A_477, %swap3A_478] {strides = array<i32>} : memref<16x1024xf32, #tpu.memory_space<vmem>>, vector<1x16xf32>,
        %swap3A_480 = vector.shape_cast %swap3A_479 : vector<1x16xf32> to vector<16xf32>
        %swap3A_481 = vector.shape_cast %get3A_407 : vector<16xf32> to vector<1x16xf32>
        tpu.vector_store %arg8[%swap3A_477, %swap3A_478], %swap3A_481 {strides = array<i32>} : memref<16x1024xf32, #tpu.memory_space<vmem>>, vector<1x16xf32>,
        %swap3A_482 = arith.index_cast %scan3A_61 : i32 to index
        %swap3A_483 = arith.constant 672 : index
        %swap3A_484 = tpu.vector_load %arg8[%swap3A_482, %swap3A_483] {strides = array<i32>} : memref<16x1024xf32, #tpu.memory_space<vmem>>, vector<1x16xf32>,
        %swap3A_485 = vector.shape_cast %swap3A_484 : vector<1x16xf32> to vector<16xf32>
        %swap3A_486 = vector.shape_cast %get3A_411 : vector<16xf32> to vector<1x16xf32>
        tpu.vector_store %arg8[%swap3A_482, %swap3A_483], %swap3A_486 {strides = array<i32>} : memref<16x1024xf32, #tpu.memory_space<vmem>>, vector<1x16xf32>,
        %swap3A_487 = arith.index_cast %scan3A_61 : i32 to index
        %swap3A_488 = arith.constant 688 : index
        %swap3A_489 = tpu.vector_load %arg8[%swap3A_487, %swap3A_488] {strides = array<i32>} : memref<16x1024xf32, #tpu.memory_space<vmem>>, vector<1x16xf32>,
        %swap3A_490 = vector.shape_cast %swap3A_489 : vector<1x16xf32> to vector<16xf32>
        %swap3A_491 = vector.shape_cast %get3A_415 : vector<16xf32> to vector<1x16xf32>
        tpu.vector_store %arg8[%swap3A_487, %swap3A_488], %swap3A_491 {strides = array<i32>} : memref<16x1024xf32, #tpu.memory_space<vmem>>, vector<1x16xf32>,
        %swap3A_492 = arith.index_cast %scan3A_61 : i32 to index
        %swap3A_493 = arith.constant 704 : index
        %swap3A_494 = tpu.vector_load %arg8[%swap3A_492, %swap3A_493] {strides = array<i32>} : memref<16x1024xf32, #tpu.memory_space<vmem>>, vector<1x16xf32>,
        %swap3A_495 = vector.shape_cast %swap3A_494 : vector<1x16xf32> to vector<16xf32>
        %swap3A_496 = vector.shape_cast %get3A_419 : vector<16xf32> to vector<1x16xf32>
        tpu.vector_store %arg8[%swap3A_492, %swap3A_493], %swap3A_496 {strides = array<i32>} : memref<16x1024xf32, #tpu.memory_space<vmem>>, vector<1x16xf32>,
        %swap3A_497 = arith.index_cast %scan3A_61 : i32 to index
        %swap3A_498 = arith.constant 720 : index
        %swap3A_499 = tpu.vector_load %arg8[%swap3A_497, %swap3A_498] {strides = array<i32>} : memref<16x1024xf32, #tpu.memory_space<vmem>>, vector<1x16xf32>,
        %swap3A_500 = vector.shape_cast %swap3A_499 : vector<1x16xf32> to vector<16xf32>
        %swap3A_501 = vector.shape_cast %get3A_423 : vector<16xf32> to vector<1x16xf32>
        tpu.vector_store %arg8[%swap3A_497, %swap3A_498], %swap3A_501 {strides = array<i32>} : memref<16x1024xf32, #tpu.memory_space<vmem>>, vector<1x16xf32>,
        %swap3A_502 = arith.index_cast %scan3A_61 : i32 to index
        %swap3A_503 = arith.constant 736 : index
        %swap3A_504 = tpu.vector_load %arg8[%swap3A_502, %swap3A_503] {strides = array<i32>} : memref<16x1024xf32, #tpu.memory_space<vmem>>, vector<1x16xf32>,
        %swap3A_505 = vector.shape_cast %swap3A_504 : vector<1x16xf32> to vector<16xf32>
        %swap3A_506 = vector.shape_cast %get3A_427 : vector<16xf32> to vector<1x16xf32>
        tpu.vector_store %arg8[%swap3A_502, %swap3A_503], %swap3A_506 {strides = array<i32>} : memref<16x1024xf32, #tpu.memory_space<vmem>>, vector<1x16xf32>,
        %swap3A_507 = arith.index_cast %scan3A_61 : i32 to index
        %swap3A_508 = arith.constant 752 : index
        %swap3A_509 = tpu.vector_load %arg8[%swap3A_507, %swap3A_508] {strides = array<i32>} : memref<16x1024xf32, #tpu.memory_space<vmem>>, vector<1x16xf32>,
        %swap3A_510 = vector.shape_cast %swap3A_509 : vector<1x16xf32> to vector<16xf32>
        %swap3A_511 = vector.shape_cast %get3A_431 : vector<16xf32> to vector<1x16xf32>
        tpu.vector_store %arg8[%swap3A_507, %swap3A_508], %swap3A_511 {strides = array<i32>} : memref<16x1024xf32, #tpu.memory_space<vmem>>, vector<1x16xf32>,
        %get3A_512 = arith.index_cast %select_n3A_80 : i32 to index
        %get3A_513 = arith.constant 768 : index
        %get3A_514 = tpu.vector_load %arg5[%get3A_512, %get3A_513] {strides = array<i32>} : memref<67x1024xf32, #tpu.memory_space<vmem>>, vector<1x16xf32>,
        %get3A_515 = vector.shape_cast %get3A_514 : vector<1x16xf32> to vector<16xf32>
        %get3A_516 = arith.index_cast %select_n3A_80 : i32 to index
        %get3A_517 = arith.constant 784 : index
        %get3A_518 = tpu.vector_load %arg5[%get3A_516, %get3A_517] {strides = array<i32>} : memref<67x1024xf32, #tpu.memory_space<vmem>>, vector<1x16xf32>,
        %get3A_519 = vector.shape_cast %get3A_518 : vector<1x16xf32> to vector<16xf32>
        %get3A_520 = arith.index_cast %select_n3A_80 : i32 to index
        %get3A_521 = arith.constant 800 : index
        %get3A_522 = tpu.vector_load %arg5[%get3A_520, %get3A_521] {strides = array<i32>} : memref<67x1024xf32, #tpu.memory_space<vmem>>, vector<1x16xf32>,
        %get3A_523 = vector.shape_cast %get3A_522 : vector<1x16xf32> to vector<16xf32>
        %get3A_524 = arith.index_cast %select_n3A_80 : i32 to index
        %get3A_525 = arith.constant 816 : index
        %get3A_526 = tpu.vector_load %arg5[%get3A_524, %get3A_525] {strides = array<i32>} : memref<67x1024xf32, #tpu.memory_space<vmem>>, vector<1x16xf32>,
        %get3A_527 = vector.shape_cast %get3A_526 : vector<1x16xf32> to vector<16xf32>
        %get3A_528 = arith.index_cast %select_n3A_80 : i32 to index
        %get3A_529 = arith.constant 832 : index
        %get3A_530 = tpu.vector_load %arg5[%get3A_528, %get3A_529] {strides = array<i32>} : memref<67x1024xf32, #tpu.memory_space<vmem>>, vector<1x16xf32>,
        %get3A_531 = vector.shape_cast %get3A_530 : vector<1x16xf32> to vector<16xf32>
        %get3A_532 = arith.index_cast %select_n3A_80 : i32 to index
        %get3A_533 = arith.constant 848 : index
        %get3A_534 = tpu.vector_load %arg5[%get3A_532, %get3A_533] {strides = array<i32>} : memref<67x1024xf32, #tpu.memory_space<vmem>>, vector<1x16xf32>,
        %get3A_535 = vector.shape_cast %get3A_534 : vector<1x16xf32> to vector<16xf32>
        %get3A_536 = arith.index_cast %select_n3A_80 : i32 to index
        %get3A_537 = arith.constant 864 : index
        %get3A_538 = tpu.vector_load %arg5[%get3A_536, %get3A_537] {strides = array<i32>} : memref<67x1024xf32, #tpu.memory_space<vmem>>, vector<1x16xf32>,
        %get3A_539 = vector.shape_cast %get3A_538 : vector<1x16xf32> to vector<16xf32>
        %get3A_540 = arith.index_cast %select_n3A_80 : i32 to index
        %get3A_541 = arith.constant 880 : index
        %get3A_542 = tpu.vector_load %arg5[%get3A_540, %get3A_541] {strides = array<i32>} : memref<67x1024xf32, #tpu.memory_space<vmem>>, vector<1x16xf32>,
        %get3A_543 = vector.shape_cast %get3A_542 : vector<1x16xf32> to vector<16xf32>
        %get3A_544 = arith.index_cast %select_n3A_80 : i32 to index
        %get3A_545 = arith.constant 896 : index
        %get3A_546 = tpu.vector_load %arg5[%get3A_544, %get3A_545] {strides = array<i32>} : memref<67x1024xf32, #tpu.memory_space<vmem>>, vector<1x16xf32>,
        %get3A_547 = vector.shape_cast %get3A_546 : vector<1x16xf32> to vector<16xf32>
        %get3A_548 = arith.index_cast %select_n3A_80 : i32 to index
        %get3A_549 = arith.constant 912 : index
        %get3A_550 = tpu.vector_load %arg5[%get3A_548, %get3A_549] {strides = array<i32>} : memref<67x1024xf32, #tpu.memory_space<vmem>>, vector<1x16xf32>,
        %get3A_551 = vector.shape_cast %get3A_550 : vector<1x16xf32> to vector<16xf32>
        %get3A_552 = arith.index_cast %select_n3A_80 : i32 to index
        %get3A_553 = arith.constant 928 : index
        %get3A_554 = tpu.vector_load %arg5[%get3A_552, %get3A_553] {strides = array<i32>} : memref<67x1024xf32, #tpu.memory_space<vmem>>, vector<1x16xf32>,
        %get3A_555 = vector.shape_cast %get3A_554 : vector<1x16xf32> to vector<16xf32>
        %get3A_556 = arith.index_cast %select_n3A_80 : i32 to index
        %get3A_557 = arith.constant 944 : index
        %get3A_558 = tpu.vector_load %arg5[%get3A_556, %get3A_557] {strides = array<i32>} : memref<67x1024xf32, #tpu.memory_space<vmem>>, vector<1x16xf32>,
        %get3A_559 = vector.shape_cast %get3A_558 : vector<1x16xf32> to vector<16xf32>
        %get3A_560 = arith.index_cast %select_n3A_80 : i32 to index
        %get3A_561 = arith.constant 960 : index
        %get3A_562 = tpu.vector_load %arg5[%get3A_560, %get3A_561] {strides = array<i32>} : memref<67x1024xf32, #tpu.memory_space<vmem>>, vector<1x16xf32>,
        %get3A_563 = vector.shape_cast %get3A_562 : vector<1x16xf32> to vector<16xf32>
        %get3A_564 = arith.index_cast %select_n3A_80 : i32 to index
        %get3A_565 = arith.constant 976 : index
        %get3A_566 = tpu.vector_load %arg5[%get3A_564, %get3A_565] {strides = array<i32>} : memref<67x1024xf32, #tpu.memory_space<vmem>>, vector<1x16xf32>,
        %get3A_567 = vector.shape_cast %get3A_566 : vector<1x16xf32> to vector<16xf32>
        %get3A_568 = arith.index_cast %select_n3A_80 : i32 to index
        %get3A_569 = arith.constant 992 : index
        %get3A_570 = tpu.vector_load %arg5[%get3A_568, %get3A_569] {strides = array<i32>} : memref<67x1024xf32, #tpu.memory_space<vmem>>, vector<1x16xf32>,
        %get3A_571 = vector.shape_cast %get3A_570 : vector<1x16xf32> to vector<16xf32>
        %get3A_572 = arith.index_cast %select_n3A_80 : i32 to index
        %get3A_573 = arith.constant 1008 : index
        %get3A_574 = tpu.vector_load %arg5[%get3A_572, %get3A_573] {strides = array<i32>} : memref<67x1024xf32, #tpu.memory_space<vmem>>, vector<1x16xf32>,
        %get3A_575 = vector.shape_cast %get3A_574 : vector<1x16xf32> to vector<16xf32>
        %swap3A_576 = arith.index_cast %scan3A_61 : i32 to index
        %swap3A_577 = arith.constant 768 : index
        %swap3A_578 = tpu.vector_load %arg8[%swap3A_576, %swap3A_577] {strides = array<i32>} : memref<16x1024xf32, #tpu.memory_space<vmem>>, vector<1x16xf32>,
        %swap3A_579 = vector.shape_cast %swap3A_578 : vector<1x16xf32> to vector<16xf32>
        %swap3A_580 = vector.shape_cast %get3A_515 : vector<16xf32> to vector<1x16xf32>
        tpu.vector_store %arg8[%swap3A_576, %swap3A_577], %swap3A_580 {strides = array<i32>} : memref<16x1024xf32, #tpu.memory_space<vmem>>, vector<1x16xf32>,
        %swap3A_581 = arith.index_cast %scan3A_61 : i32 to index
        %swap3A_582 = arith.constant 784 : index
        %swap3A_583 = tpu.vector_load %arg8[%swap3A_581, %swap3A_582] {strides = array<i32>} : memref<16x1024xf32, #tpu.memory_space<vmem>>, vector<1x16xf32>,
        %swap3A_584 = vector.shape_cast %swap3A_583 : vector<1x16xf32> to vector<16xf32>
        %swap3A_585 = vector.shape_cast %get3A_519 : vector<16xf32> to vector<1x16xf32>
        tpu.vector_store %arg8[%swap3A_581, %swap3A_582], %swap3A_585 {strides = array<i32>} : memref<16x1024xf32, #tpu.memory_space<vmem>>, vector<1x16xf32>,
        %swap3A_586 = arith.index_cast %scan3A_61 : i32 to index
        %swap3A_587 = arith.constant 800 : index
        %swap3A_588 = tpu.vector_load %arg8[%swap3A_586, %swap3A_587] {strides = array<i32>} : memref<16x1024xf32, #tpu.memory_space<vmem>>, vector<1x16xf32>,
        %swap3A_589 = vector.shape_cast %swap3A_588 : vector<1x16xf32> to vector<16xf32>
        %swap3A_590 = vector.shape_cast %get3A_523 : vector<16xf32> to vector<1x16xf32>
        tpu.vector_store %arg8[%swap3A_586, %swap3A_587], %swap3A_590 {strides = array<i32>} : memref<16x1024xf32, #tpu.memory_space<vmem>>, vector<1x16xf32>,
        %swap3A_591 = arith.index_cast %scan3A_61 : i32 to index
        %swap3A_592 = arith.constant 816 : index
        %swap3A_593 = tpu.vector_load %arg8[%swap3A_591, %swap3A_592] {strides = array<i32>} : memref<16x1024xf32, #tpu.memory_space<vmem>>, vector<1x16xf32>,
        %swap3A_594 = vector.shape_cast %swap3A_593 : vector<1x16xf32> to vector<16xf32>
        %swap3A_595 = vector.shape_cast %get3A_527 : vector<16xf32> to vector<1x16xf32>
        tpu.vector_store %arg8[%swap3A_591, %swap3A_592], %swap3A_595 {strides = array<i32>} : memref<16x1024xf32, #tpu.memory_space<vmem>>, vector<1x16xf32>,
        %swap3A_596 = arith.index_cast %scan3A_61 : i32 to index
        %swap3A_597 = arith.constant 832 : index
        %swap3A_598 = tpu.vector_load %arg8[%swap3A_596, %swap3A_597] {strides = array<i32>} : memref<16x1024xf32, #tpu.memory_space<vmem>>, vector<1x16xf32>,
        %swap3A_599 = vector.shape_cast %swap3A_598 : vector<1x16xf32> to vector<16xf32>
        %swap3A_600 = vector.shape_cast %get3A_531 : vector<16xf32> to vector<1x16xf32>
        tpu.vector_store %arg8[%swap3A_596, %swap3A_597], %swap3A_600 {strides = array<i32>} : memref<16x1024xf32, #tpu.memory_space<vmem>>, vector<1x16xf32>,
        %swap3A_601 = arith.index_cast %scan3A_61 : i32 to index
        %swap3A_602 = arith.constant 848 : index
        %swap3A_603 = tpu.vector_load %arg8[%swap3A_601, %swap3A_602] {strides = array<i32>} : memref<16x1024xf32, #tpu.memory_space<vmem>>, vector<1x16xf32>,
        %swap3A_604 = vector.shape_cast %swap3A_603 : vector<1x16xf32> to vector<16xf32>
        %swap3A_605 = vector.shape_cast %get3A_535 : vector<16xf32> to vector<1x16xf32>
        tpu.vector_store %arg8[%swap3A_601, %swap3A_602], %swap3A_605 {strides = array<i32>} : memref<16x1024xf32, #tpu.memory_space<vmem>>, vector<1x16xf32>,
        %swap3A_606 = arith.index_cast %scan3A_61 : i32 to index
        %swap3A_607 = arith.constant 864 : index
        %swap3A_608 = tpu.vector_load %arg8[%swap3A_606, %swap3A_607] {strides = array<i32>} : memref<16x1024xf32, #tpu.memory_space<vmem>>, vector<1x16xf32>,
        %swap3A_609 = vector.shape_cast %swap3A_608 : vector<1x16xf32> to vector<16xf32>
        %swap3A_610 = vector.shape_cast %get3A_539 : vector<16xf32> to vector<1x16xf32>
        tpu.vector_store %arg8[%swap3A_606, %swap3A_607], %swap3A_610 {strides = array<i32>} : memref<16x1024xf32, #tpu.memory_space<vmem>>, vector<1x16xf32>,
        %swap3A_611 = arith.index_cast %scan3A_61 : i32 to index
        %swap3A_612 = arith.constant 880 : index
        %swap3A_613 = tpu.vector_load %arg8[%swap3A_611, %swap3A_612] {strides = array<i32>} : memref<16x1024xf32, #tpu.memory_space<vmem>>, vector<1x16xf32>,
        %swap3A_614 = vector.shape_cast %swap3A_613 : vector<1x16xf32> to vector<16xf32>
        %swap3A_615 = vector.shape_cast %get3A_543 : vector<16xf32> to vector<1x16xf32>
        tpu.vector_store %arg8[%swap3A_611, %swap3A_612], %swap3A_615 {strides = array<i32>} : memref<16x1024xf32, #tpu.memory_space<vmem>>, vector<1x16xf32>,
        %swap3A_616 = arith.index_cast %scan3A_61 : i32 to index
        %swap3A_617 = arith.constant 896 : index
        %swap3A_618 = tpu.vector_load %arg8[%swap3A_616, %swap3A_617] {strides = array<i32>} : memref<16x1024xf32, #tpu.memory_space<vmem>>, vector<1x16xf32>,
        %swap3A_619 = vector.shape_cast %swap3A_618 : vector<1x16xf32> to vector<16xf32>
        %swap3A_620 = vector.shape_cast %get3A_547 : vector<16xf32> to vector<1x16xf32>
        tpu.vector_store %arg8[%swap3A_616, %swap3A_617], %swap3A_620 {strides = array<i32>} : memref<16x1024xf32, #tpu.memory_space<vmem>>, vector<1x16xf32>,
        %swap3A_621 = arith.index_cast %scan3A_61 : i32 to index
        %swap3A_622 = arith.constant 912 : index
        %swap3A_623 = tpu.vector_load %arg8[%swap3A_621, %swap3A_622] {strides = array<i32>} : memref<16x1024xf32, #tpu.memory_space<vmem>>, vector<1x16xf32>,
        %swap3A_624 = vector.shape_cast %swap3A_623 : vector<1x16xf32> to vector<16xf32>
        %swap3A_625 = vector.shape_cast %get3A_551 : vector<16xf32> to vector<1x16xf32>
        tpu.vector_store %arg8[%swap3A_621, %swap3A_622], %swap3A_625 {strides = array<i32>} : memref<16x1024xf32, #tpu.memory_space<vmem>>, vector<1x16xf32>,
        %swap3A_626 = arith.index_cast %scan3A_61 : i32 to index
        %swap3A_627 = arith.constant 928 : index
        %swap3A_628 = tpu.vector_load %arg8[%swap3A_626, %swap3A_627] {strides = array<i32>} : memref<16x1024xf32, #tpu.memory_space<vmem>>, vector<1x16xf32>,
        %swap3A_629 = vector.shape_cast %swap3A_628 : vector<1x16xf32> to vector<16xf32>
        %swap3A_630 = vector.shape_cast %get3A_555 : vector<16xf32> to vector<1x16xf32>
        tpu.vector_store %arg8[%swap3A_626, %swap3A_627], %swap3A_630 {strides = array<i32>} : memref<16x1024xf32, #tpu.memory_space<vmem>>, vector<1x16xf32>,
        %swap3A_631 = arith.index_cast %scan3A_61 : i32 to index
        %swap3A_632 = arith.constant 944 : index
        %swap3A_633 = tpu.vector_load %arg8[%swap3A_631, %swap3A_632] {strides = array<i32>} : memref<16x1024xf32, #tpu.memory_space<vmem>>, vector<1x16xf32>,
        %swap3A_634 = vector.shape_cast %swap3A_633 : vector<1x16xf32> to vector<16xf32>
        %swap3A_635 = vector.shape_cast %get3A_559 : vector<16xf32> to vector<1x16xf32>
        tpu.vector_store %arg8[%swap3A_631, %swap3A_632], %swap3A_635 {strides = array<i32>} : memref<16x1024xf32, #tpu.memory_space<vmem>>, vector<1x16xf32>,
        %swap3A_636 = arith.index_cast %scan3A_61 : i32 to index
        %swap3A_637 = arith.constant 960 : index
        %swap3A_638 = tpu.vector_load %arg8[%swap3A_636, %swap3A_637] {strides = array<i32>} : memref<16x1024xf32, #tpu.memory_space<vmem>>, vector<1x16xf32>,
        %swap3A_639 = vector.shape_cast %swap3A_638 : vector<1x16xf32> to vector<16xf32>
        %swap3A_640 = vector.shape_cast %get3A_563 : vector<16xf32> to vector<1x16xf32>
        tpu.vector_store %arg8[%swap3A_636, %swap3A_637], %swap3A_640 {strides = array<i32>} : memref<16x1024xf32, #tpu.memory_space<vmem>>, vector<1x16xf32>,
        %swap3A_641 = arith.index_cast %scan3A_61 : i32 to index
        %swap3A_642 = arith.constant 976 : index
        %swap3A_643 = tpu.vector_load %arg8[%swap3A_641, %swap3A_642] {strides = array<i32>} : memref<16x1024xf32, #tpu.memory_space<vmem>>, vector<1x16xf32>,
        %swap3A_644 = vector.shape_cast %swap3A_643 : vector<1x16xf32> to vector<16xf32>
        %swap3A_645 = vector.shape_cast %get3A_567 : vector<16xf32> to vector<1x16xf32>
        tpu.vector_store %arg8[%swap3A_641, %swap3A_642], %swap3A_645 {strides = array<i32>} : memref<16x1024xf32, #tpu.memory_space<vmem>>, vector<1x16xf32>,
        %swap3A_646 = arith.index_cast %scan3A_61 : i32 to index
        %swap3A_647 = arith.constant 992 : index
        %swap3A_648 = tpu.vector_load %arg8[%swap3A_646, %swap3A_647] {strides = array<i32>} : memref<16x1024xf32, #tpu.memory_space<vmem>>, vector<1x16xf32>,
        %swap3A_649 = vector.shape_cast %swap3A_648 : vector<1x16xf32> to vector<16xf32>
        %swap3A_650 = vector.shape_cast %get3A_571 : vector<16xf32> to vector<1x16xf32>
        tpu.vector_store %arg8[%swap3A_646, %swap3A_647], %swap3A_650 {strides = array<i32>} : memref<16x1024xf32, #tpu.memory_space<vmem>>, vector<1x16xf32>,
        %swap3A_651 = arith.index_cast %scan3A_61 : i32 to index
        %swap3A_652 = arith.constant 1008 : index
        %swap3A_653 = tpu.vector_load %arg8[%swap3A_651, %swap3A_652] {strides = array<i32>} : memref<16x1024xf32, #tpu.memory_space<vmem>>, vector<1x16xf32>,
        %swap3A_654 = vector.shape_cast %swap3A_653 : vector<1x16xf32> to vector<16xf32>
        %swap3A_655 = vector.shape_cast %get3A_575 : vector<16xf32> to vector<1x16xf32>
        tpu.vector_store %arg8[%swap3A_651, %swap3A_652], %swap3A_655 {strides = array<i32>} : memref<16x1024xf32, #tpu.memory_space<vmem>>, vector<1x16xf32>,
      }
      %scan3A_56 = arith.constant 16 : i32
      %dma_start3A_57 = arith.constant 0 : i32
      %dma_start3A_58 = tpu.memref_slice %arg4[%add3A_45, %dma_start3A_57] : memref<22528x1024xf32, #tpu.memory_space<hbm>> -> memref<16x1024xf32, #tpu.memory_space<hbm>>
      %dma_start3A_59 = arith.constant 0 : i32
      %dma_start3A_60 = tpu.memref_slice %arg4[%add3A_45, %dma_start3A_59] : memref<22528x1024xf32, #tpu.memory_space<hbm>> -> memref<16x1024xf32, #tpu.memory_space<hbm>>
      tpu.enqueue_dma source(%arg8 : memref<16x1024xf32, #tpu.memory_space<vmem>>) target(%dma_start3A_60 : memref<16x1024xf32, #tpu.memory_space<hbm>>) target_semaphore(%arg10 : memref<!tpu.dma_semaphore, #tpu.memory_space<semaphore_mem>>)
    }
    %scan3A_14 = arith.constant 22 : i32
    %dma_wait3A = arith.constant 0 : i32
    %dma_wait3A_15 = tpu.memref_slice %arg4[%mul3A_9, %dma_wait3A] : memref<22528x1024xf32, #tpu.memory_space<hbm>> -> memref<16x1024xf32, #tpu.memory_space<hbm>>
    %dma_wait3A_16 = arith.constant 0 : i32
    %dma_wait3A_17 = tpu.memref_slice %arg4[%mul3A_9, %dma_wait3A_16] : memref<22528x1024xf32, #tpu.memory_space<hbm>> -> memref<16x1024xf32, #tpu.memory_space<hbm>>
    tpu.wait_dma2 semaphore(%arg9 : memref<!tpu.dma_semaphore, #tpu.memory_space<semaphore_mem>>) src(%arg7 : memref<16x1024xf32, #tpu.memory_space<vmem>>) dst(%dma_wait3A_17 : memref<16x1024xf32, #tpu.memory_space<hbm>>)
    %dma_wait3A_18 = arith.constant 0 : i32
    %dma_wait3A_19 = tpu.memref_slice %arg4[%mul3A_9, %dma_wait3A_18] : memref<22528x1024xf32, #tpu.memory_space<hbm>> -> memref<16x1024xf32, #tpu.memory_space<hbm>>
    %dma_wait3A_20 = arith.constant 0 : i32
    %dma_wait3A_21 = tpu.memref_slice %arg4[%mul3A_9, %dma_wait3A_20] : memref<22528x1024xf32, #tpu.memory_space<hbm>> -> memref<16x1024xf32, #tpu.memory_space<hbm>>
    tpu.wait_dma2 semaphore(%arg10 : memref<!tpu.dma_semaphore, #tpu.memory_space<semaphore_mem>>) src(%arg8 : memref<16x1024xf32, #tpu.memory_space<vmem>>) dst(%dma_wait3A_21 : memref<16x1024xf32, #tpu.memory_space<hbm>>)
    return
  }
}

</mosaic_0001>

<sc_bundles>
// kernel: kernel.3.cloned.1.call-start
scs
__scs_entry_jumppad:
0x0: {  	(pc) =	sbr.rel $0x88, $3  }
0x1: {  	(tag) =	ssettag $0x0;
	lr =	simm.s32 $0x1  }
0x2: {  	[smem:$0x3F9E] =	sst lr;
	_ =	strace $0xD0000000  }
0x3: {  	_ = 	snop  }
0x4: {  	_ = 	snop  }
0x5: {  	_ = 	snop  }
0x6: {  	_ = 	snop  }
0x7: {  	_ = 	snop  }
__scs_overlays_trampoline_lowered:
0x8: {  	[smem:$0x3FAD] =	sst s0  }
0x9: {  	[smem:$0x3FAE] =	sst s1  }
0xa: {  	[smem:$0x3FAF] =	sst s2  }
0xb: {  	[smem:$0x3FB0] =	sst s3  }
0xc: {  	[smem:$0x3FB1] =	sst s4  }
0xd: {  	[smem:$0x3FB2] =	sst s5  }
0xe: {  	[smem:$0x3FB3] =	sst s6  }
0xf: {  	[smem:$0x3FB4] =	sst s7  }
0x10: {  	[smem:$0x3FB5] =	sst s8  }
0x11: {  	[smem:$0x3FB6] =	sst s9;
	s0 =	simm.s32 @!p0 $0x0  }
0x12: {  	s1 =	sld [smem:$0x3F9C];
	s0 =	simm.s32 @p0 $0x1  }
0x13: {  	[smem:$0x3FB7] =	sst s0;
	s0 =	simm.s32 @!p1 $0x0  }
0x14: {  	s2 =	sld [smem:$0x3F9B];
	s0 =	simm.s32 @p1 $0x1  }
0x15: {  	[smem:$0x3FB8] =	sst s0;
	s0 =	simm.s32 @!p2 $0x0  }
0x16: {  	s3 =	sld [smem:$0x3FDB];
	s0 =	simm.s32 @p2 $0x1  }
0x17: {  	s4 =	simm.s32 $0x1BF5;
	[smem:$0x3FBA] =	sst s0  }
0x18: {  	s0 =	sld [smem:$0x3F9D];
	_ =	swait.ge [sflag:s4], $0x0  }
0x19: {  	s7 =	sld [smem:$0x3F9E]  }
0x1a: {  	s8 =	sadd.s32 $0xFFFFE003, lr  }
0x1b: {  	s9 =	sadd.s32 $0xFFFFFEF7, lr;
	s5 =	simm.s32 $0xFFFFFFFF;
	p2 =	slt.u32 s8, $0xFFFFF086  }
0x1c: {  	p1 =	slt.u32 s9, $0xF7A;
	s5 =	simm.s32 @!p2 $0x0  }
0x1d: {  	s5 =	simm.s32 @p1 $0x1;
	p0 =	seq.s32 s7, s2  }
0x1e: {  	s7 =	smul.u32 @!p0 $0xF7A, s2;
	p2 =	seq.s32 @!p0 s5, $0x0  }
0x1f: {  	s9 =	smul.u32 $0xF7A, s1;
	s8 =	simm.s32 @!p0 $0x1BF5;
	p2 =	por !p2, p0  }
0x20: {  	[sflag:s8] =	ssyncset.s32 @!p0 $0xFFFFF086;
	s6 =	sadd.s32 @!p0 s3, s7;
	s7 =	simm.s32 @!p0 $0x108  }
0x21: {  	s3 =	sadd.s32 s3, s9;
	s6 =	sadd.s32 @!p0 $0x88, s6;
	s7 =	simm.s32 @p2 $0x1082  }
0x22: {  	[simem:s7], [sflag:s8] =	dma.local @!p0 [hbm:s6], $0xF7A  }
0x23: {  	s9 =	sor.u32 $0xD0000000, s2;
	s6 =	simm.s32 $0x108;
	_ =	swait.ge @!p0 [sflag:s8], $0x0  }
0x24: {  	s3 =	sadd.s32 $0x88, s3;
	s6 =	simm.s32 @!p1 $0x1082;
	[sflag:s4] =	ssyncset.s32 $0xFFFFF086  }
0x25: {  	[simem:s6], [sflag:s4] =	dma.local [hbm:s3], $0xF7A  }
0x26: {  	[smem:$0x3F9E] =	sst s1;
	(tag) =	ssettag s2;
	_ =	strace s9  }
0x27: {  	s1 =	sld [smem:$0x3FAE]  }
0x28: {  	s2 =	sld [smem:$0x3FAF]  }
0x29: {  	s4 =	sld [smem:$0x3FB1]  }
0x2a: {  	p0 =	seq.s32 s5, $0x0;
	s5 =	sld [smem:$0x3FB2]  }
0x2b: {  	s6 =	sld [smem:$0x3FB3]  }
0x2c: {  	s7 =	sld [smem:$0x3FB4]  }
0x2d: {  	s3 =	simm.s32 $0x108;
	s8 =	sld [smem:$0x3FB5]  }
0x2e: {  	s3 =	simm.s32 @!p0 $0x1082;
	s9 =	sld [smem:$0x3FB6]  }
0x2f: {  	lr =	sadd.s32 s0, s3;
	s0 =	sld [smem:$0x3FAD]  }
0x30: {  	s3 =	sld [smem:$0x3FB0]  }
0x31: {  	[smem:$0x3FB9] =	sst s10  }
0x32: {  	s10 =	sld [smem:$0x3FB7];
	_ =	sdelay $0x3  }
0x33: {  	p0 =	seq.s32 s10, $0x1;
	s10 =	sld [smem:$0x3FB9];
	_ =	sdelay $0x3  }
0x34: {  	[smem:$0x3FB9] =	sst s10  }
0x35: {  	s10 =	sld [smem:$0x3FB8];
	_ =	sdelay $0x3  }
0x36: {  	p1 =	seq.s32 s10, $0x1;
	s10 =	sld [smem:$0x3FB9];
	_ =	sdelay $0x3  }
0x37: {  	[smem:$0x3FB9] =	sst s10  }
0x38: {  	s10 =	sld [smem:$0x3FBA]  }
0x39: {  	_ = 	snop;
	(pc) =	sbr.ind lr, $3  }
0x3a: {  	_ = 	snop  }
0x3b: {  	_ = 	snop  }
0x3c: {  	p2 =	seq.s32 s10, $0x1;
	s10 =	sld [smem:$0x3FB9]  }
0x3d: {  	_ =	shalt  }
0x3e: {  	_ =	shalt  }
0x3f: {  	_ =	shalt  }
0x40: {  	_ =	shalt  }
0x41: {  	_ =	shalt  }
0x42: {  	_ =	shalt  }
0x43: {  	_ =	shalt  }
0x44: {  	_ =	shalt  }
0x45: {  	_ =	shalt  }
0x46: {  	_ =	shalt  }
0x47: {  	_ =	shalt  }
0x48: {  	_ =	shalt  }
0x49: {  	_ =	shalt  }
0x4a: {  	_ =	shalt  }
0x4b: {  	_ =	shalt  }
0x4c: {  	_ =	shalt  }
0x4d: {  	_ =	shalt  }
0x4e: {  	_ =	shalt  }
0x4f: {  	_ =	shalt  }
0x50: {  	_ =	shalt  }
0x51: {  	_ =	shalt  }
0x52: {  	_ =	shalt  }
0x53: {  	_ =	shalt  }
0x54: {  	_ =	shalt  }
0x55: {  	_ =	shalt  }
0x56: {  	_ =	shalt  }
0x57: {  	_ =	shalt  }
0x58: {  	_ =	shalt  }
0x59: {  	_ =	shalt  }
0x5a: {  	_ =	shalt  }
0x5b: {  	_ =	shalt  }
0x5c: {  	_ =	shalt  }
0x5d: {  	_ =	shalt  }
0x5e: {  	_ =	shalt  }
0x5f: {  	_ =	shalt  }
0x60: {  	_ =	shalt  }
0x61: {  	_ =	shalt  }
0x62: {  	_ =	shalt  }
0x63: {  	_ =	shalt  }
0x64: {  	_ =	shalt  }
0x65: {  	_ =	shalt  }
0x66: {  	_ =	shalt  }
0x67: {  	_ =	shalt  }
0x68: {  	_ =	shalt  }
0x69: {  	_ =	shalt  }
0x6a: {  	_ =	shalt  }
0x6b: {  	_ =	shalt  }
0x6c: {  	_ =	shalt  }
0x6d: {  	_ =	shalt  }
0x6e: {  	_ =	shalt  }
0x6f: {  	_ =	shalt  }
0x70: {  	_ =	shalt  }
0x71: {  	_ =	shalt  }
0x72: {  	_ =	shalt  }
0x73: {  	_ =	shalt  }
0x74: {  	_ =	shalt  }
0x75: {  	_ =	shalt  }
0x76: {  	_ =	shalt  }
0x77: {  	_ =	shalt  }
0x78: {  	_ =	shalt  }
0x79: {  	_ =	shalt  }
0x7a: {  	_ =	shalt  }
0x7b: {  	_ =	shalt  }
0x7c: {  	_ =	shalt  }
0x7d: {  	_ =	shalt  }
0x7e: {  	_ =	shalt  }
0x7f: {  	_ =	shalt  }
0x80: {  	_ =	shalt  }
0x81: {  	_ =	shalt  }
0x82: {  	_ =	shalt  }
0x83: {  	_ =	shalt  }
0x84: {  	_ =	shalt  }
0x85: {  	_ =	shalt  }
0x86: {  	_ =	shalt  }
0x87: {  	_ =	shalt  }
.Lfunc_end0:
.L_simem_size_0:
called_computation_lowered:
.L_overlay_start_0:
0x88: {  	s2 =	sld [smem:$0x3FD9]  }
0x89: {  	s3 =	sld [smem:$0x3FFE];
	_ =	sdelay $0x1  }
0x8a: {  	s1 =	srdreg.scid  }
0x8b: {  	s0 =	sand.u32 $0x1, s1  }
0x8c: {  	s17 =	sshll.u32 s0, $0xA;
	s2 =	sadd.s32 s3, s2  }
0x8d: {  	s2 =	sadd.s32 s2, s17  }
0x8e: {  	[smem:$0x3FC5] =	sst s2  }
0x8f: {  	_ = 	snop  }
0x90: {  	s2 =	sld [smem:$0x3FC9]  }
0x91: {  	s18 =	sld [smem:$0x3FD0];
	(tm) =	ssettm $0x1  }
0x92: {  	s4 =	sld [smem:$0x3FFB];
	_ =	sdelay $0x3  }
0x93: {  	_ =	strace s4  }
0x94: {  	s4 =	sld [smem:$0x3FFC];
	_ =	sdelay $0x3  }
0x95: {  	_ =	strace s4  }
0x96: {  	s4 =	sld [smem:$0x3FFD];
	_ =	sdelay $0x3  }
0x97: {  	_ =	strace s4  }
0x98: {  	_ =	strace $0x8FFFFFFF  }
0x99: {  	s19 =	sld [smem:$0x3FDB];
	_ =	sdelay $0x1  }
0x9a: {  	s5 =	simm.s32 $_scs_section_size  }
0x9b: {  	s6 =	simm.s32 $_size__tile_overlayer_lowered;
	s7 =	simm.s32 $_tile_overlayer_lowered  }
0x9c: {  	s22 =	simm.s32 $0x1BFF;
	s21 =	sshll.u32 s7, $0x1;
	s4 =	sadd.s32 s5, s19  }
0x9d: {  	s8 =	simm.s32 $0x0;
	s20 =	sshll.u32 s6, $0x1;
	s6 =	sadd.s32 s21, s4  }
0x9e: {  	[timem:s8], [sflag:s22] =	dma.local [hbm:s6], s20  }
0x9f: {  	_ =	swait.ge [sflag:s22], s20  }
0xa0: {  	s5 =	ssub.s32 $0x0, s20;
	[sflag:s22] =	ssyncset.done $0x0  }
0xa1: {  	[sflag:s22] =	ssyncadd.s32 s5;
	_ =	sdelay $0x1  }
0xa2: {  	s23 =	simm.s32 $0x1B8B  }
0xa3: {  	_ =	swait.ge [sflag:s23], $0x1  }
0xa4: {  	[sflag:s23] =	ssyncset.done $0x0  }
0xa5: {  	s25 =	simm.s32 $0x1B8E;
	s24 =	sld [smem:$0x3FFE];
	[sflag:s23] =	ssyncadd.s32 $0xFFFFFFFF  }
0xa6: {  	s26 =	simm.s32 $execute0_lowered;
	[smem:$0x3FD2] =	sst s25  }
0xa7: {  	s6 =	sshll.u32 s26, $0x1;
	_ =	strace $0x80000046;
	[dreg:$0x1] =	wrdreg $0xFFFFFFFF  }
0xa8: {  	s28 =	simm.s32 $_size_execute0_lowered;
	s4 =	sadd.s32 s4, s6;
	[dreg:$0x0] =	wrdreg $0x0  }
0xa9: {  	s6 =	sshll.u32 s28, $0x1;
	[dreg:$0x2] =	wrdreg s4  }
0xaa: {  	[dreg:$0x3] =	wrdreg s6  }
0xab: {  	[dreg:$0x4] =	wrdreg $0xC0  }
0xac: {  	_ =	task [dreg:s8], $0x5FFFF  }
0xad: {  	[dreg:$0x1] =	wrdreg $0xFFFFFFFF  }
0xae: {  	[dreg:$0x0] =	wrdreg $0x60  }
0xaf: {  	[dreg:$0x2] =	wrdreg s2  }
0xb0: {  	[dreg:$0x3] =	wrdreg s24  }
0xb1: {  	[dreg:$0x4] =	wrdreg s18  }
0xb2: {  	[dreg:$0x5] =	wrdreg $0x9  }
0xb3: {  	_ =	task.clear_ibuf [dreg:s8], $0x6FFFF;
	_ =	strace $0x90000046  }
0xb4: {  	s29 =	simm.s32 $0x9;
	_ =	strace $0x80000048  }
0xb5: {  	_ =	swait.ge [sflag:s29], $0x1  }
0xb6: {  	[sflag:s29] =	ssyncadd.s32 $0xFFFFFFFF  }
0xb7: {  	_ =	strace $0x90000048  }
0xb8: {  	_ =	sfence  }
0xb9: {  	s30 =	sld [smem:$0x0];
	_ =	sdelay $0x2  }
0xba: {  	s31 =	sshll.u32 s1, $0xD;
	s1 =	sshrl.u32 s1, $0x2  }
0xbb: {  	s3 =	sand.u32 $0x4000, s31;
	s1 =	sadd.s32 s1, s30  }
0xbc: {  	s0 =	sor.u32 s3, s0;
	s1 =	sshll.u32 s1, $0x11  }
0xbd: {  	s0 =	sor.u32 s1, s0  }
0xbe: {  	s0 =	sadd.s32 $0x8F2B, s0  }
0xbf: {  	[sflag:s0] =	ssyncadd.remote.s32 $0x1  }
0xc0: {  	_ =	sfence.sel $0xFFFF  }
0xc1: {  	[dreg:$0x0] =	wrdreg $0xFFFFFFFF;
	(pc) =	sbr.abs _section_cstart, $3  }
0xc2: {  	[dreg:$0x1] =	wrdreg $0xFFFFFFFF  }
0xc3: {  	_ =	task.clear_ibuf [dreg:s8], $0x2FFFF;
	_ =	strace $0x9FFFFFFF  }
0xc4: {  	(tm) =	ssettm $0x7FFFFFFF  }
0xc5: {  	_ =	shalt  }
tec
execute0_lowered:
.L_overlay_start_1:
0x0: {  	(tag) =	ssettag $0x1  }
0x1: {  	s0 =	rddreg [dreg:$0x1]  }
0x2: {  	s2 =	rddreg [dreg:$0x2];
	s3 =	simm.s32 $0x0  }
0x3: {  	s4 =	srdreg.scid;
	s1 =	stileid.u32;
	s10 =	simm.s32 $0x3  }
0x4: {  	s11 =	simm.s32 $0x12000;
	s12 =	simm.s32 $0x12080;
	s13 =	simm.s32 $0x16080  }
0x5: {  	s14 =	simm.s32 $0x1;
	s15 =	simm.s32 $0x2;
	s16 =	simm.s32 $0x0  }
0x6: {  	[smem:$0x7FF] =	sst s3;
	s4 =	sand.u32 $0x1, s4;
	s8 =	smul.u32 $0x2C0, s1  }
0x7: {  	s5 =	sadd.s32 $0x400, s0;
	s7 =	smul.u32 $0x2C00, s4;
	s6 =	ssub.s32 $0x2, s4  }
0x8: {  	_ =	strace $0x80000047;
	s4 =	sshll.u32 s4, $0x4;
	s31 =	sshrl.u32 s6, $0x1  }
0x9: {  	s4 =	sor.u32 s1, s4;
	s0 =	ssub.s32 s6, s31;
	s7 =	sadd.s32 s8, s7  }
0xa: {  	s6 =	smul.u32 $0x2C0, s4;
	s8 =	smax.u32 s0, $0x1;
	s9 =	sor.u32 $0x10, s7  }
.LBB2_1:
0xb: {  	s0 =	rddreg [dreg:$0x0]  }
0xc: {  	[tilespmem:s3], [sflag:$0x3] =	stream.linear.gather [hbm4b:s0+s3], $0x12000, $0x38;
	[tilespmem:$0x1A080] =	vst v63  }
0xd: {  	_ =	swait.ge [sflag:s10], $0x12000  }
0xe: {  	[sflag:s10] =	ssyncset.done $0x0  }
0xf: {  	[sflag:s10] =	ssyncadd.s32 $0xFFFEE000  }
0x10: {  	[tilespmem:s11], [sflag:$0x3] =	stream.linear.gather [hbm4b:s5+s3], $0x80, $0x38;
	[tilespmem:$0x1A080] =	vst v63  }
0x11: {  	_ =	swait.ge [sflag:s10], $0x80  }
0x12: {  	[sflag:s10] =	ssyncset.done $0x0  }
0x13: {  	[sflag:s10] =	ssyncadd.s32 $0xFFFFFF80  }
0x14: {  	v0 =	vld [tilespmem:$0x12000]  }
0x15: {  	v1 =	vld [tilespmem:$0x12010];
	_ =	sdelay $0x3  }
0x16: {  	(v2sf) =	vpush v0, $0x0  }
0x17: {  	(v2sf) =	vpush v1, $0x0;
	_ =	sdelay $0xd  }
0x18: {  	s19 =	smov.u32 s9;
	s17 =	spop (v2sf)  }
0x19: {  	s20 =	smov.u32 s7;
	s21 =	simm.s32 $0x0;
	s18 =	spop (v2sf)  }
.LBB2_2:
0x1a: {  	p0 =	seq.s32 s21, $0x0  }
0x1b: {  	s22 =	sshll.u32 s21, $0x5;
	s0 =	simm.s32 @!p0 $0x1  }
0x1c: {  	s24 =	simm.s32 $0x0;
	s25 =	smov.u32 s20;
	_ =	swait.ge @!p0 [sflag:s0], $0x4000  }
0x1d: {  	s26 =	simm.s32 $0x0;
	s28 =	simm.s32 $0x0;
	[sflag:s0] =	ssyncset.done @!p0 $0x0  }
0x1e: {  	s29 =	simm.s32 $0x0;
	s23 =	sadd.s32 s6, s22;
	[sflag:s0] =	ssyncadd.s32 @!p0 $0xFFFFC000  }
.LBB2_3:
0x1f: {  	s0 =	smulhi.u32 $0x1B4E81B5, s25;
	_ =	sdelay $0x1  }
0x20: {  	s0 =	sshrl.u32 s0, $0x4  }
0x21: {  	s4 =	smul.u32 $0x97, s0;
	_ =	sdelay $0x1  }
0x22: {  	s4 =	ssub.s32 s20, s4  }
0x23: {  	s4 =	sadd.s32 s4, s29  }
0x24: {  	p1 =	sgt.s32 s4, $0xFFFFFFE0  }
0x25: {  	s0 =	smul.u32 $0x96, s0;
	s4 =	simm.s32 @!p1 $0xFFFFFFE0  }
0x26: {  	s30 =	sadd.s32 s29, s20;
	p1 =	slt.s32 s4, $0x20  }
0x27: {  	s30 =	smulhi.u32 $0x1B4E81B5, s30;
	s0 =	ssub.s32 s20, s0;
	s4 =	simm.s32 @!p1 $0x20  }
0x28: {  	s0 =	sadd.s32 s0, s29;
	s4 =	sadd.s32 $0x20, s4  }
0x29: {  	s30 =	sshrl.u32 s30, $0x4;
	p1 =	sge.s32 s0, s17;
	s31 =	smov.u32 s4  }
0x2a: {  	p2 =	slt.s32 s30, s17;
	s1 =	smov.u32 s4;
	s31 =	simm.s32 @p1 $0x41  }
0x2b: {  	p1 =	slt.s32 s0, s18;
	s1 =	smov.u32 @p2 s31  }
0x2c: {  	s4 =	smov.u32 @p1 s1  }
0x2d: {  	p1 =	slt.s32 s0, s17;
	s0 =	smov.u32 s4  }
0x2e: {  	p2 =	slt.s32 s30, s18;
	s1 =	smov.u32 s4;
	s0 =	simm.s32 @p1 $0x42  }
0x2f: {  	p1 =	sge.s32 s30, s17;
	s1 =	smov.u32 @p2 s0  }
0x30: {  	s4 =	smov.u32 @p1 s1  }
0x31: {  	s31 =	sshll.u32 s4, $0xA;
	s4 =	sshll.u32 s4, $0x7  }
0x32: {  	s30 =	sand.u32 $0x7FFFE000, s31;
	s0 =	sand.u32 $0x380, s4  }
0x33: {  	s4 =	sor.u32 s0, s30  }
0x34: {  	v0 =	vld [tilespmem:s4+$0x0]  }
0x35: {  	v1 =	vld [tilespmem:s4+$0x10]  }
0x36: {  	v2 =	vld [tilespmem:s4+$0x20]  }
0x37: {  	v3 =	vld [tilespmem:s4+$0x30]  }
0x38: {  	v4 =	vld [tilespmem:s4+$0x40]  }
0x39: {  	v5 =	vld [tilespmem:s4+$0x50]  }
0x3a: {  	v6 =	vld [tilespmem:s4+$0x60]  }
0x3b: {  	v7 =	vld [tilespmem:s4+$0x70]  }
0x3c: {  	v8 =	vld [tilespmem:s4+$0x400]  }
0x3d: {  	v9 =	vld [tilespmem:s4+$0x410]  }
0x3e: {  	v10 =	vld [tilespmem:s4+$0x420]  }
0x3f: {  	v11 =	vld [tilespmem:s4+$0x430]  }
0x40: {  	v12 =	vld [tilespmem:s4+$0x440]  }
0x41: {  	s1 =	sand.u32 $0x2000, s26;
	s30 =	sand.u32 $0x380, s28;
	v13 =	vld [tilespmem:s4+$0x450]  }
0x42: {  	v14 =	vld [tilespmem:s4+$0x460];
	s1 =	sor.u32 s30, s1  }
0x43: {  	v15 =	vld [tilespmem:s4+$0x470];
	s30 =	sadd.s32 $0x12080, s1;
	[tilespmem:s1+$0x12080] =	vst v0  }
0x44: {  	[tilespmem:s30+$0x40] =	vst v4  }
0x45: {  	[tilespmem:s30+$0x50] =	vst v5  }
0x46: {  	[tilespmem:s30+$0x60] =	vst v6  }
0x47: {  	[tilespmem:s30+$0x70] =	vst v7  }
0x48: {  	[tilespmem:s30+$0x400] =	vst v8  }
0x49: {  	[tilespmem:s30+$0x410] =	vst v9  }
0x4a: {  	[tilespmem:s30+$0x420] =	vst v10  }
0x4b: {  	[tilespmem:s30+$0x430] =	vst v11  }
0x4c: {  	[tilespmem:s30+$0x440] =	vst v12  }
0x4d: {  	[tilespmem:s30+$0x450] =	vst v13  }
0x4e: {  	[tilespmem:s30+$0x460] =	vst v14  }
0x4f: {  	[tilespmem:s30+$0x470] =	vst v15  }
0x50: {  	[tilespmem:s30+$0x10] =	vst v1  }
0x51: {  	[tilespmem:s30+$0x20] =	vst v2  }
0x52: {  	[tilespmem:s30+$0x30] =	vst v3  }
0x53: {  	v0 =	vld [tilespmem:s4+$0x800]  }
0x54: {  	v1 =	vld [tilespmem:s4+$0x810]  }
0x55: {  	v2 =	vld [tilespmem:s4+$0x820]  }
0x56: {  	v3 =	vld [tilespmem:s4+$0x830]  }
0x57: {  	v4 =	vld [tilespmem:s4+$0x840]  }
0x58: {  	v5 =	vld [tilespmem:s4+$0x850]  }
0x59: {  	v6 =	vld [tilespmem:s4+$0x860]  }
0x5a: {  	v7 =	vld [tilespmem:s4+$0x870]  }
0x5b: {  	v8 =	vld [tilespmem:s4+$0xC00]  }
0x5c: {  	v9 =	vld [tilespmem:s4+$0xC10]  }
0x5d: {  	v10 =	vld [tilespmem:s4+$0xC20]  }
0x5e: {  	v11 =	vld [tilespmem:s4+$0xC30]  }
0x5f: {  	v12 =	vld [tilespmem:s4+$0xC40]  }
0x60: {  	v13 =	vld [tilespmem:s4+$0xC50]  }
0x61: {  	v14 =	vld [tilespmem:s4+$0xC60]  }
0x62: {  	v15 =	vld [tilespmem:s4+$0xC70];
	[tilespmem:s30+$0x800] =	vst v0  }
0x63: {  	[tilespmem:s30+$0x810] =	vst v1  }
0x64: {  	[tilespmem:s30+$0x820] =	vst v2  }
0x65: {  	[tilespmem:s30+$0x830] =	vst v3  }
0x66: {  	[tilespmem:s30+$0x840] =	vst v4  }
0x67: {  	[tilespmem:s30+$0x850] =	vst v5  }
0x68: {  	[tilespmem:s30+$0x860] =	vst v6  }
0x69: {  	[tilespmem:s30+$0x870] =	vst v7  }
0x6a: {  	[tilespmem:s30+$0xC00] =	vst v8  }
0x6b: {  	[tilespmem:s30+$0xC10] =	vst v9  }
0x6c: {  	[tilespmem:s30+$0xC20] =	vst v10  }
0x6d: {  	[tilespmem:s30+$0xC30] =	vst v11  }
0x6e: {  	[tilespmem:s30+$0xC40] =	vst v12  }
0x6f: {  	[tilespmem:s30+$0xC50] =	vst v13  }
0x70: {  	[tilespmem:s30+$0xC60] =	vst v14  }
0x71: {  	[tilespmem:s30+$0xC70] =	vst v15  }
0x72: {  	v0 =	vld [tilespmem:s4+$0x1000]  }
0x73: {  	v1 =	vld [tilespmem:s4+$0x1010]  }
0x74: {  	v2 =	vld [tilespmem:s4+$0x1020]  }
0x75: {  	v3 =	vld [tilespmem:s4+$0x1030]  }
0x76: {  	v4 =	vld [tilespmem:s4+$0x1040]  }
0x77: {  	v5 =	vld [tilespmem:s4+$0x1050]  }
0x78: {  	v6 =	vld [tilespmem:s4+$0x1060]  }
0x79: {  	v7 =	vld [tilespmem:s4+$0x1070]  }
0x7a: {  	v8 =	vld [tilespmem:s4+$0x1400]  }
0x7b: {  	v9 =	vld [tilespmem:s4+$0x1410]  }
0x7c: {  	v10 =	vld [tilespmem:s4+$0x1420]  }
0x7d: {  	v11 =	vld [tilespmem:s4+$0x1430]  }
0x7e: {  	v12 =	vld [tilespmem:s4+$0x1440]  }
0x7f: {  	v13 =	vld [tilespmem:s4+$0x1450]  }
0x80: {  	v14 =	vld [tilespmem:s4+$0x1460]  }
0x81: {  	v15 =	vld [tilespmem:s4+$0x1470];
	[tilespmem:s30+$0x1000] =	vst v0  }
0x82: {  	[tilespmem:s30+$0x1010] =	vst v1  }
0x83: {  	[tilespmem:s30+$0x1020] =	vst v2  }
0x84: {  	[tilespmem:s30+$0x1030] =	vst v3  }
0x85: {  	[tilespmem:s30+$0x1040] =	vst v4  }
0x86: {  	[tilespmem:s30+$0x1050] =	vst v5  }
0x87: {  	[tilespmem:s30+$0x1060] =	vst v6  }
0x88: {  	[tilespmem:s30+$0x1070] =	vst v7  }
0x89: {  	[tilespmem:s30+$0x1400] =	vst v8  }
0x8a: {  	[tilespmem:s30+$0x1410] =	vst v9  }
0x8b: {  	[tilespmem:s30+$0x1420] =	vst v10  }
0x8c: {  	[tilespmem:s30+$0x1430] =	vst v11  }
0x8d: {  	[tilespmem:s30+$0x1440] =	vst v12  }
0x8e: {  	[tilespmem:s30+$0x1450] =	vst v13  }
0x8f: {  	[tilespmem:s30+$0x1460] =	vst v14  }
0x90: {  	[tilespmem:s30+$0x1470] =	vst v15  }
0x91: {  	v0 =	vld [tilespmem:s4+$0x1800]  }
0x92: {  	v1 =	vld [tilespmem:s4+$0x1810]  }
0x93: {  	v2 =	vld [tilespmem:s4+$0x1820]  }
0x94: {  	v3 =	vld [tilespmem:s4+$0x1830]  }
0x95: {  	v4 =	vld [tilespmem:s4+$0x1840]  }
0x96: {  	v5 =	vld [tilespmem:s4+$0x1850]  }
0x97: {  	s0 =	sor.u32 s31, s0;
	v6 =	vld [tilespmem:s4+$0x1860]  }
0x98: {  	s31 =	sor.u32 $0x1C00, s0;
	v7 =	vld [tilespmem:s4+$0x1870]  }
0x99: {  	v8 =	vld [tilespmem:s31+$0x0];
	s4 =	sor.u32 $0x1C10, s0  }
0x9a: {  	s31 =	sor.u32 $0x1C20, s0;
	v9 =	vld [tilespmem:s4+$0x0]  }
0x9b: {  	v10 =	vld [tilespmem:s31+$0x0];
	s4 =	sor.u32 $0x1C30, s0  }
0x9c: {  	s31 =	sor.u32 $0x1C40, s0;
	v11 =	vld [tilespmem:s4+$0x0]  }
0x9d: {  	v12 =	vld [tilespmem:s31+$0x0];
	s4 =	sor.u32 $0x1C50, s0  }
0x9e: {  	s31 =	sor.u32 $0x1C60, s0;
	v13 =	vld [tilespmem:s4+$0x0]  }
0x9f: {  	s0 =	sor.u32 $0x1C70, s0;
	v14 =	vld [tilespmem:s31+$0x0]  }
0xa0: {  	v15 =	vld [tilespmem:s0+$0x0];
	[tilespmem:s30+$0x1800] =	vst v0  }
0xa1: {  	[tilespmem:s30+$0x1810] =	vst v1  }
0xa2: {  	[tilespmem:s30+$0x1820] =	vst v2  }
0xa3: {  	[tilespmem:s30+$0x1830] =	vst v3  }
0xa4: {  	s4 =	sand.u32 $0x7, s24;
	[tilespmem:s30+$0x1840] =	vst v4  }
0xa5: {  	s0 =	sshll.u32 s4, $0x7;
	[tilespmem:s30+$0x1850] =	vst v5  }
0xa6: {  	s0 =	sadd.s32 s0, s26;
	[tilespmem:s30+$0x1860] =	vst v6  }
0xa7: {  	[tilespmem:s30+$0x1870] =	vst v7;
	s31 =	sor.u32 $0x1C00, s0  }
0xa8: {  	s4 =	sor.u32 $0x1C10, s0;
	[tilespmem:s31+$0x12080] =	vst v8  }
0xa9: {  	s30 =	sor.u32 $0x1C20, s0;
	[tilespmem:s4+$0x12080] =	vst v9  }
0xaa: {  	p1 =	sne.s32 s29, $0xF;
	s31 =	sor.u32 $0x1C30, s0;
	[tilespmem:s30+$0x12080] =	vst v10  }
.Ltmp0:
0xab: {  	s4 =	sor.u32 $0x1C40, s0;
	[tilespmem:s31+$0x12080] =	vst v11;
	(pc) =	sbr.rel @p1 .LBB2_3-.Ltmp0, $4  }
0xac: {  	s30 =	sor.u32 $0x1C50, s0;
	[tilespmem:s4+$0x12080] =	vst v12  }
0xad: {  	s31 =	sor.u32 $0x1C60, s0;
	[tilespmem:s30+$0x12080] =	vst v13  }
0xae: {  	s25 =	sadd.s32 $0x1, s25;
	s29 =	sadd.s32 $0x1, s29;
	s0 =	sor.u32 $0x1C70, s0;
	[tilespmem:s31+$0x12080] =	vst v14  }
0xaf: {  	s28 =	sadd.s32 $0x80, s28;
	s24 =	sadd.s32 $0x1, s24;
	s26 =	sadd.s32 $0x400, s26;
	[tilespmem:s0+$0x12080] =	vst v15  }
0xb0: {  	s0 =	sshll.u32 s23, $0x7  }
0xb1: {  	s0 =	sadd.s32 s2, s0  }
0xb2: {  	[hbm4b:s0+s3] =	stream.linear.scatter [tilespmem:s12], [sflag:$0x1], $0x4000, $0x38;
	[tilespmem:$0x1A080] =	vst v63  }
0xb3: {  	s1 =	sadd.s32 s22, s6;
	s0 =	simm.s32 @!p0 $0x2  }
0xb4: {  	s23 =	simm.s32 $0x0;
	s24 =	smov.u32 s19;
	_ =	swait.ge @!p0 [sflag:s0], $0x4000  }
0xb5: {  	s25 =	simm.s32 $0x0;
	s26 =	simm.s32 $0x0;
	[sflag:s0] =	ssyncset.done @!p0 $0x0  }
0xb6: {  	s28 =	simm.s32 $0x0;
	s22 =	sadd.s32 $0x10, s1;
	[sflag:s0] =	ssyncadd.s32 @!p0 $0xFFFFC000  }
.LBB2_5:
0xb7: {  	s0 =	smulhi.u32 $0x1B4E81B5, s24;
	_ =	sdelay $0x1  }
0xb8: {  	s0 =	sshrl.u32 s0, $0x4  }
0xb9: {  	s1 =	smul.u32 $0x97, s0;
	_ =	sdelay $0x1  }
0xba: {  	s1 =	ssub.s32 s19, s1  }
0xbb: {  	s1 =	sadd.s32 s1, s28  }
0xbc: {  	p0 =	sgt.s32 s1, $0xFFFFFFE0  }
0xbd: {  	s0 =	smul.u32 $0x96, s0;
	s1 =	simm.s32 @!p0 $0xFFFFFFE0  }
0xbe: {  	s4 =	sadd.s32 s28, s19;
	p0 =	slt.s32 s1, $0x20  }
0xbf: {  	s4 =	smulhi.u32 $0x1B4E81B5, s4;
	s0 =	ssub.s32 s19, s0;
	s1 =	simm.s32 @!p0 $0x20  }
0xc0: {  	s0 =	sadd.s32 s0, s28;
	s1 =	sadd.s32 $0x20, s1  }
0xc1: {  	s4 =	sshrl.u32 s4, $0x4;
	p0 =	sge.s32 s0, s17;
	s29 =	smov.u32 s1  }
0xc2: {  	p1 =	slt.s32 s4, s17;
	s30 =	smov.u32 s1;
	s29 =	simm.s32 @p0 $0x41  }
0xc3: {  	p0 =	slt.s32 s0, s18;
	s30 =	smov.u32 @p1 s29  }
0xc4: {  	s1 =	smov.u32 @p0 s30  }
0xc5: {  	p0 =	slt.s32 s0, s17;
	s0 =	smov.u32 s1  }
0xc6: {  	p1 =	slt.s32 s4, s18;
	s29 =	smov.u32 s1;
	s0 =	simm.s32 @p0 $0x42  }
0xc7: {  	p0 =	sge.s32 s4, s17;
	s29 =	smov.u32 @p1 s0  }
0xc8: {  	s1 =	smov.u32 @p0 s29  }
0xc9: {  	s30 =	sshll.u32 s1, $0xA;
	s4 =	sshll.u32 s1, $0x7  }
0xca: {  	s29 =	sand.u32 $0x7FFFE000, s30;
	s0 =	sand.u32 $0x380, s4  }
0xcb: {  	s4 =	sor.u32 s0, s29  }
0xcc: {  	v0 =	vld [tilespmem:s4+$0x0]  }
0xcd: {  	v1 =	vld [tilespmem:s4+$0x10]  }
0xce: {  	v2 =	vld [tilespmem:s4+$0x20]  }
0xcf: {  	v3 =	vld [tilespmem:s4+$0x30]  }
0xd0: {  	v4 =	vld [tilespmem:s4+$0x40]  }
0xd1: {  	v5 =	vld [tilespmem:s4+$0x50]  }
0xd2: {  	v6 =	vld [tilespmem:s4+$0x60]  }
0xd3: {  	v7 =	vld [tilespmem:s4+$0x70]  }
0xd4: {  	v8 =	vld [tilespmem:s4+$0x400]  }
0xd5: {  	v9 =	vld [tilespmem:s4+$0x410]  }
0xd6: {  	v10 =	vld [tilespmem:s4+$0x420]  }
0xd7: {  	v11 =	vld [tilespmem:s4+$0x430]  }
0xd8: {  	v12 =	vld [tilespmem:s4+$0x440]  }
0xd9: {  	s31 =	sand.u32 $0x380, s26;
	s1 =	sand.u32 $0x2000, s25;
	v13 =	vld [tilespmem:s4+$0x450]  }
0xda: {  	s1 =	sor.u32 s31, s1;
	v14 =	vld [tilespmem:s4+$0x460]  }
0xdb: {  	s29 =	sadd.s32 $0x16080, s1;
	v15 =	vld [tilespmem:s4+$0x470];
	[tilespmem:s1+$0x16080] =	vst v0  }
0xdc: {  	[tilespmem:s29+$0x40] =	vst v4  }
0xdd: {  	[tilespmem:s29+$0x50] =	vst v5  }
0xde: {  	[tilespmem:s29+$0x60] =	vst v6  }
0xdf: {  	[tilespmem:s29+$0x70] =	vst v7  }
0xe0: {  	[tilespmem:s29+$0x400] =	vst v8  }
0xe1: {  	[tilespmem:s29+$0x410] =	vst v9  }
0xe2: {  	[tilespmem:s29+$0x420] =	vst v10  }
0xe3: {  	[tilespmem:s29+$0x430] =	vst v11  }
0xe4: {  	[tilespmem:s29+$0x440] =	vst v12  }
0xe5: {  	[tilespmem:s29+$0x450] =	vst v13  }
0xe6: {  	[tilespmem:s29+$0x460] =	vst v14  }
0xe7: {  	[tilespmem:s29+$0x470] =	vst v15  }
0xe8: {  	[tilespmem:s29+$0x10] =	vst v1  }
0xe9: {  	[tilespmem:s29+$0x20] =	vst v2  }
0xea: {  	[tilespmem:s29+$0x30] =	vst v3  }
0xeb: {  	v0 =	vld [tilespmem:s4+$0x800]  }
0xec: {  	v1 =	vld [tilespmem:s4+$0x810]  }
0xed: {  	v2 =	vld [tilespmem:s4+$0x820]  }
0xee: {  	v3 =	vld [tilespmem:s4+$0x830]  }
0xef: {  	v4 =	vld [tilespmem:s4+$0x840]  }
0xf0: {  	v5 =	vld [tilespmem:s4+$0x850]  }
0xf1: {  	v6 =	vld [tilespmem:s4+$0x860]  }
0xf2: {  	v7 =	vld [tilespmem:s4+$0x870]  }
0xf3: {  	v8 =	vld [tilespmem:s4+$0xC00]  }
0xf4: {  	v9 =	vld [tilespmem:s4+$0xC10]  }
0xf5: {  	v10 =	vld [tilespmem:s4+$0xC20]  }
0xf6: {  	v11 =	vld [tilespmem:s4+$0xC30]  }
0xf7: {  	v12 =	vld [tilespmem:s4+$0xC40]  }
0xf8: {  	v13 =	vld [tilespmem:s4+$0xC50]  }
0xf9: {  	v14 =	vld [tilespmem:s4+$0xC60]  }
0xfa: {  	v15 =	vld [tilespmem:s4+$0xC70];
	[tilespmem:s29+$0x800] =	vst v0  }
0xfb: {  	[tilespmem:s29+$0x810] =	vst v1  }
0xfc: {  	[tilespmem:s29+$0x820] =	vst v2  }
0xfd: {  	[tilespmem:s29+$0x830] =	vst v3  }
0xfe: {  	[tilespmem:s29+$0x840] =	vst v4  }
0xff: {  	[tilespmem:s29+$0x850] =	vst v5  }
0x100: {  	[tilespmem:s29+$0x860] =	vst v6  }
0x101: {  	[tilespmem:s29+$0x870] =	vst v7  }
0x102: {  	[tilespmem:s29+$0xC00] =	vst v8  }
0x103: {  	[tilespmem:s29+$0xC10] =	vst v9  }
0x104: {  	[tilespmem:s29+$0xC20] =	vst v10  }
0x105: {  	[tilespmem:s29+$0xC30] =	vst v11  }
0x106: {  	[tilespmem:s29+$0xC40] =	vst v12  }
0x107: {  	[tilespmem:s29+$0xC50] =	vst v13  }
0x108: {  	[tilespmem:s29+$0xC60] =	vst v14  }
0x109: {  	[tilespmem:s29+$0xC70] =	vst v15  }
0x10a: {  	v0 =	vld [tilespmem:s4+$0x1000]  }
0x10b: {  	v1 =	vld [tilespmem:s4+$0x1010]  }
0x10c: {  	v2 =	vld [tilespmem:s4+$0x1020]  }
0x10d: {  	v3 =	vld [tilespmem:s4+$0x1030]  }
0x10e: {  	v4 =	vld [tilespmem:s4+$0x1040]  }
0x10f: {  	v5 =	vld [tilespmem:s4+$0x1050]  }
0x110: {  	v6 =	vld [tilespmem:s4+$0x1060]  }
0x111: {  	v7 =	vld [tilespmem:s4+$0x1070]  }
0x112: {  	v8 =	vld [tilespmem:s4+$0x1400]  }
0x113: {  	v9 =	vld [tilespmem:s4+$0x1410]  }
0x114: {  	v10 =	vld [tilespmem:s4+$0x1420]  }
0x115: {  	v11 =	vld [tilespmem:s4+$0x1430]  }
0x116: {  	v12 =	vld [tilespmem:s4+$0x1440]  }
0x117: {  	v13 =	vld [tilespmem:s4+$0x1450]  }
0x118: {  	v14 =	vld [tilespmem:s4+$0x1460]  }
0x119: {  	v15 =	vld [tilespmem:s4+$0x1470];
	[tilespmem:s29+$0x1000] =	vst v0  }
0x11a: {  	[tilespmem:s29+$0x1010] =	vst v1  }
0x11b: {  	[tilespmem:s29+$0x1020] =	vst v2  }
0x11c: {  	[tilespmem:s29+$0x1030] =	vst v3  }
0x11d: {  	[tilespmem:s29+$0x1040] =	vst v4  }
0x11e: {  	[tilespmem:s29+$0x1050] =	vst v5  }
0x11f: {  	[tilespmem:s29+$0x1060] =	vst v6  }
0x120: {  	[tilespmem:s29+$0x1070] =	vst v7  }
0x121: {  	[tilespmem:s29+$0x1400] =	vst v8  }
0x122: {  	[tilespmem:s29+$0x1410] =	vst v9  }
0x123: {  	[tilespmem:s29+$0x1420] =	vst v10  }
0x124: {  	[tilespmem:s29+$0x1430] =	vst v11  }
0x125: {  	[tilespmem:s29+$0x1440] =	vst v12  }
0x126: {  	[tilespmem:s29+$0x1450] =	vst v13  }
0x127: {  	[tilespmem:s29+$0x1460] =	vst v14  }
0x128: {  	[tilespmem:s29+$0x1470] =	vst v15  }
0x129: {  	v0 =	vld [tilespmem:s4+$0x1800]  }
0x12a: {  	v1 =	vld [tilespmem:s4+$0x1810]  }
0x12b: {  	v2 =	vld [tilespmem:s4+$0x1820]  }
0x12c: {  	v3 =	vld [tilespmem:s4+$0x1830]  }
0x12d: {  	v4 =	vld [tilespmem:s4+$0x1840]  }
0x12e: {  	v5 =	vld [tilespmem:s4+$0x1850]  }
0x12f: {  	s0 =	sor.u32 s30, s0;
	v6 =	vld [tilespmem:s4+$0x1860]  }
0x130: {  	s31 =	sor.u32 $0x1C00, s0;
	v7 =	vld [tilespmem:s4+$0x1870]  }
0x131: {  	s30 =	sor.u32 $0x1C20, s0;
	v8 =	vld [tilespmem:s31+$0x0]  }
0x132: {  	s4 =	sor.u32 $0x1C10, s0;
	v10 =	vld [tilespmem:s30+$0x0]  }
0x133: {  	s31 =	sor.u32 $0x1C30, s0;
	v9 =	vld [tilespmem:s4+$0x0]  }
0x134: {  	s30 =	sor.u32 $0x1C50, s0;
	v11 =	vld [tilespmem:s31+$0x0]  }
0x135: {  	s4 =	sor.u32 $0x1C40, s0;
	v13 =	vld [tilespmem:s30+$0x0]  }
0x136: {  	s31 =	sor.u32 $0x1C60, s0;
	v12 =	vld [tilespmem:s4+$0x0]  }
0x137: {  	s0 =	sor.u32 $0x1C70, s0;
	v14 =	vld [tilespmem:s31+$0x0]  }
0x138: {  	v15 =	vld [tilespmem:s0+$0x0];
	[tilespmem:s29+$0x1800] =	vst v0  }
0x139: {  	[tilespmem:s29+$0x1810] =	vst v1  }
0x13a: {  	[tilespmem:s29+$0x1820] =	vst v2  }
0x13b: {  	[tilespmem:s29+$0x1830] =	vst v3  }
0x13c: {  	s4 =	sand.u32 $0x7, s23;
	[tilespmem:s29+$0x1840] =	vst v4  }
0x13d: {  	s0 =	sshll.u32 s4, $0x7;
	[tilespmem:s29+$0x1850] =	vst v5  }
0x13e: {  	s0 =	sadd.s32 s0, s25;
	[tilespmem:s29+$0x1860] =	vst v6  }
0x13f: {  	[tilespmem:s29+$0x1870] =	vst v7;
	s29 =	sor.u32 $0x1C00, s0  }
0x140: {  	s30 =	sor.u32 $0x1C10, s0;
	[tilespmem:s29+$0x16080] =	vst v8  }
0x141: {  	s31 =	sor.u32 $0x1C20, s0;
	[tilespmem:s30+$0x16080] =	vst v9  }
0x142: {  	p0 =	sne.s32 s28, $0xF;
	s4 =	sor.u32 $0x1C30, s0;
	[tilespmem:s31+$0x16080] =	vst v10  }
.Ltmp1:
0x143: {  	s29 =	sor.u32 $0x1C40, s0;
	[tilespmem:s4+$0x16080] =	vst v11;
	(pc) =	sbr.rel @p0 .LBB2_5-.Ltmp1, $4  }
0x144: {  	s30 =	sor.u32 $0x1C50, s0;
	[tilespmem:s29+$0x16080] =	vst v12  }
0x145: {  	s31 =	sor.u32 $0x1C60, s0;
	[tilespmem:s30+$0x16080] =	vst v13  }
0x146: {  	s26 =	sadd.s32 $0x80, s26;
	s24 =	sadd.s32 $0x1, s24;
	s0 =	sor.u32 $0x1C70, s0;
	[tilespmem:s31+$0x16080] =	vst v14  }
0x147: {  	s28 =	sadd.s32 $0x1, s28;
	s23 =	sadd.s32 $0x1, s23;
	s25 =	sadd.s32 $0x400, s25;
	[tilespmem:s0+$0x16080] =	vst v15  }
0x148: {  	s21 =	sadd.s32 $0x1, s21  }
0x149: {  	p0 =	sne.s32 s21, $0x16  }
.Ltmp2:
0x14a: {  	_ = 	snop;
	(pc) =	sbr.rel @p0 .LBB2_2-.Ltmp2, $4  }
0x14b: {  	_ = 	snop  }
0x14c: {  	s0 =	sshll.u32 s22, $0x7  }
0x14d: {  	s20 =	sadd.s32 $0x20, s20;
	s19 =	sadd.s32 $0x20, s19;
	s0 =	sadd.s32 s2, s0  }
0x14e: {  	[hbm4b:s0+s3] =	stream.linear.scatter [tilespmem:s13], [sflag:$0x2], $0x4000, $0x38;
	[tilespmem:$0x1A080] =	vst v63  }
0x14f: {  	s16 =	sadd.s32 $0x1, s16  }
0x150: {  	_ =	swait.ge [sflag:s14], $0x4000;
	p0 =	sne.s32 s16, s8  }
.Ltmp3:
0x151: {  	[sflag:s14] =	ssyncset.done $0x0;
	(pc) =	sbr.rel @p0 .LBB2_1-.Ltmp3, $4  }
0x152: {  	[sflag:s14] =	ssyncadd.s32 $0xFFFFC000  }
0x153: {  	_ =	swait.ge [sflag:s15], $0x4000  }
0x154: {  	[sflag:s15] =	ssyncset.done $0x0  }
0x155: {  	[sflag:s15] =	ssyncadd.s32 $0xFFFFC000  }
0x156: {  	_ =	sfence.sel $0x180000  }
0x157: {  	[bflag:$0x0] =	sbarrier.arrive $0xFFFF  }
0x158: {  	_ =	strace $0x90000047  }
0x159: {  	s0 =	stileid.u32;
	[bflag:$0x2] =	sbarrier.arrive $0xFFFF  }
0x15a: {  	p0 =	sne.s32 s0, $0x0;
	s0 =	rddreg [dreg:$0x3]  }
0x15b: {  	s0 =	sadd.s32 @!p0 $0x100000, s0  }
0x15c: {  	[sflag:s0] =	ssyncadd.tile.s32 @!p0 $0x1;
	_ =	shalt  }
.Lfunc_end2:
_tile_overlayer_lowered:
.L_overlay_start_2:
0x15d: {  	(tag) =	ssettag $0x2  }
0x15e: {  	s0 =	rddreg [dreg:$0x0];
	s2 =	stileid.u32  }
0x15f: {  	s1 =	rddreg [dreg:$0x1];
	p0 =	sne.s32 s2, $0x0  }
0x160: {  	s3 =	rddreg [dreg:$0x2];
	[bflag:$0x3] =	sbarrier.arrive $0xFFFF;
	s2 =	simm.s32 @!p0 $0x1C03  }
0x161: {  	[timem:s3], [sflag:s2] =	dma.local @!p0 [hbm:s0], s1  }
0x162: {  	s0 =	simm.s32 @!p0 $0x3  }
0x163: {  	_ =	swait.ge @!p0 [sflag:s0], s1  }
0x164: {  	s1 =	ssub.s32 @!p0 $0x0, s1;
	[sflag:s0] =	ssyncset.done @!p0 $0x0  }
0x165: {  	[sflag:s0] =	ssyncadd.s32 @!p0 s1  }
0x166: {  	[bflag:$0x3] =	sbarrier.arrive $0xFFFF  }
0x167: {  	_ =	shalt  }

</sc_bundles>
